<compile_context>
chip_gen: v7x
topology: tpu7x:2x2x1
jax: 0.10.2.dev20260603
libtpu: 0.0.44.dev20260713+nightly
codegen_flags: <defaults>
</compile_context>

<pallas_src>
import jax
import jax.numpy as jnp
from jax import lax
from jax.experimental import pallas as pl
from jax.experimental.pallas import tpu as pltpu
from jax.experimental.pallas import tpu_sc as plsc

_BATCH = 16384
_HIST = 200
_N = _BATCH * _HIST
_NW = 32
_PER_W = _N // _NW
_CHUNK = 12800
_NCHUNK = _PER_W // _CHUNK
_VOCAB = 1000000


def _gather_body(idx_hbm, table_hbm, out_hbm,
                 idx_a, idx_b, rows_a, rows_b, table_s, sem_a, sem_b):
    sid = lax.axis_index("s")
    wid = sid * 2 + lax.axis_index("c")
    base = wid * _PER_W

    @pl.when(sid == 0)
    def _():
        pltpu.sync_copy(table_hbm, table_s)

    plsc.subcore_barrier()

    idx_v = [idx_a, idx_b]
    rows_v = [rows_a, rows_b]
    sems = [sem_a, sem_b]

    pltpu.sync_copy(idx_hbm.at[pl.ds(base, _CHUNK)], idx_v[0])
    for g in range(_NCHUNK):
        cur = g % 2
        copy = pltpu.async_copy(table_s.at[idx_v[cur]], rows_v[cur], sems[cur])
        if g + 1 < _NCHUNK:
            off = base + (g + 1) * _CHUNK
            pltpu.sync_copy(idx_hbm.at[pl.ds(off, _CHUNK)], idx_v[1 - cur])
        copy.wait()
        pltpu.sync_copy(rows_v[cur], out_hbm.at[pl.ds(base + g * _CHUNK, _CHUNK)])


def kernel(item_ids, score_embedding):
    flat_ids = item_ids.reshape(_N)
    table = score_embedding.reshape(-1)
    mesh = plsc.VectorSubcoreMesh(core_axis_name="c", subcore_axis_name="s")
    out = pl.kernel(
        _gather_body,
        out_type=jax.ShapeDtypeStruct((_N,), jnp.float32),
        mesh=mesh,
        scratch_types=[
            pltpu.VMEM((_CHUNK,), jnp.int32),
            pltpu.VMEM((_CHUNK,), jnp.int32),
            pltpu.VMEM((_CHUNK,), jnp.float32),
            pltpu.VMEM((_CHUNK,), jnp.float32),
            pltpu.VMEM_SHARED((_VOCAB,), jnp.float32),
            pltpu.SemaphoreType.DMA,
            pltpu.SemaphoreType.DMA,
        ],
    )(flat_ids, table)
    return out.reshape(_BATCH, _HIST, 1)

# --- scband reference (transcript-rebuilt; emitter-appended) ---
"""Pipeline reference for scband-tabular-pl-11845519802586 (READ-ONLY COPY).

The authoritative reference and input builder live on the scoring server;
editing this copy changes nothing except your own understanding.
"""

import jax, jax.numpy as jnp
import numpy as np

NUM_ITEMS = 1000000
BATCH = 16384
HIST = 200

def setup_inputs(seed: int = 0) -> dict:
    key = jax.random.key(seed)
    k1, k2 = jax.random.split(key)
    item_ids = jax.random.randint(k1, (BATCH, HIST), 0, NUM_ITEMS, dtype=jnp.int64 if jax.config.jax_enable_x64 else jnp.int32).astype(jnp.int32)
    # Learned parameter: score embedding table [num_items, 1].
    # Module inits it to zeros; we use small random values so outputs/grads are nontrivial.
    score_embedding = jax.random.normal(k2, (NUM_ITEMS, 1), dtype=jnp.float32) * 0.01
    return {"item_ids": item_ids, "score_embedding": score_embedding}

def reference(item_ids, score_embedding):
    # nn.Embedding(num_items, 1)(item_ids) -> gather rows
    return jnp.take(score_embedding, item_ids, axis=0)

if __name__ == "__main__":
    import jax
    _d = setup_inputs()
    print(jax.jit(kernel)(*tuple(_d.values())))

</pallas_src>

<mosaic_0001>
#map = affine_map<(d0, d1) -> (0)>
module attributes {stable_mosaic.version = 14 : i64} {
  func.func @_gather_body(%arg0: i32, %arg1: i32, %arg2: memref<3276800xi32, #tpu.memory_space<hbm>>, %arg3: memref<1000000xf32, #tpu.memory_space<hbm>>, %arg4: memref<3276800xf32, #tpu.memory_space<hbm>>, %arg5: memref<12800xi32, #tpu.memory_space<vmem>>, %arg6: memref<12800xi32, #tpu.memory_space<vmem>>, %arg7: memref<12800xf32, #tpu.memory_space<vmem>>, %arg8: memref<12800xf32, #tpu.memory_space<vmem>>, %arg9: memref<1000000xf32, #tpu.memory_space<vmem_shared>>, %arg10: memref<!tpu.dma_semaphore, #tpu.memory_space<semaphore_mem>>, %arg11: memref<!tpu.dma_semaphore, #tpu.memory_space<semaphore_mem>>) attributes {dimension_semantics = [#tpu.dimension_semantics<core_parallel>, #tpu.dimension_semantics<subcore_parallel>], iteration_bounds = array<i64: 2, 16>, scalar_prefetch = 0 : i64, scratch_operands = 7 : i64, tpu.core_type = #tpu.core_type<sc_vector_subcore>, window_params = [{transform_indices = #map}, {transform_indices = #map}, {transform_indices = #map}]} {
    %mul3A = arith.constant 2 : i32
    %mul3A_0 = arith.muli %arg1, %mul3A : i32
    %add3A = arith.addi %mul3A_0, %arg0 : i32
    %mul3A_1 = arith.constant 102400 : i32
    %mul3A_2 = arith.muli %add3A, %mul3A_1 : i32
    %eq3A = arith.constant 0 : i32
    %eq3A_3 = arith.cmpi eq, %arg1, %eq3A : i32
    %convert_element_type3A = arith.extui %eq3A_3 : i1 to i32
    %cond3A = arith.constant 0 : i32
    %cond3A_4 = arith.cmpi ne, %convert_element_type3A, %cond3A : i32
    scf.if %cond3A_4 {
      "tpu.region"() ({
        %run_scoped3A = tpu.sem_alloc : memref<!tpu.dma_semaphore, #tpu.memory_space<semaphore_mem>>
        tpu.enqueue_dma source(%arg3 : memref<1000000xf32, #tpu.memory_space<hbm>>) target(%arg9 : memref<1000000xf32, #tpu.memory_space<vmem_shared>>) target_semaphore(%run_scoped3A : memref<!tpu.dma_semaphore, #tpu.memory_space<semaphore_mem>>)
        tpu.wait_dma2 semaphore(%run_scoped3A : memref<!tpu.dma_semaphore, #tpu.memory_space<semaphore_mem>>) src(%arg3 : memref<1000000xf32, #tpu.memory_space<hbm>>) dst(%arg9 : memref<1000000xf32, #tpu.memory_space<vmem_shared>>)
        tpu.yield
      }) : () -> ()
    } else {
    }
    %barrier3A = arith.constant 0 : index
    tpu.barrier barrier_id(%barrier3A)
    "tpu.region"() ({
      %run_scoped3A = tpu.sem_alloc : memref<!tpu.dma_semaphore, #tpu.memory_space<semaphore_mem>>
      %dma_start3A_65 = tpu.memref_slice %arg2[%mul3A_2] : memref<3276800xi32, #tpu.memory_space<hbm>> -> memref<12800xi32, #tpu.memory_space<hbm>>
      %dma_start3A_66 = tpu.memref_slice %arg2[%mul3A_2] : memref<3276800xi32, #tpu.memory_space<hbm>> -> memref<12800xi32, #tpu.memory_space<hbm>>
      tpu.enqueue_dma source(%dma_start3A_66 : memref<12800xi32, #tpu.memory_space<hbm>>) target(%arg5 : memref<12800xi32, #tpu.memory_space<vmem>>) target_semaphore(%run_scoped3A : memref<!tpu.dma_semaphore, #tpu.memory_space<semaphore_mem>>)
      %dma_wait3A_67 = tpu.memref_slice %arg2[%mul3A_2] : memref<3276800xi32, #tpu.memory_space<hbm>> -> memref<12800xi32, #tpu.memory_space<hbm>>
      %dma_wait3A_68 = tpu.memref_slice %arg2[%mul3A_2] : memref<3276800xi32, #tpu.memory_space<hbm>> -> memref<12800xi32, #tpu.memory_space<hbm>>
      tpu.wait_dma2 semaphore(%run_scoped3A : memref<!tpu.dma_semaphore, #tpu.memory_space<semaphore_mem>>) src(%dma_wait3A_68 : memref<12800xi32, #tpu.memory_space<hbm>>) dst(%arg5 : memref<12800xi32, #tpu.memory_space<vmem>>)
      tpu.yield
    }) : () -> ()
    %dma_start3A = arith.constant 0 : i32
    %dma_start3A_5 = tpu.memref_slice %arg9[%dma_start3A] : memref<1000000xf32, #tpu.memory_space<vmem_shared>> -> memref<1000000xf32, #tpu.memory_space<vmem_shared>>
    tpu.enqueue_indirect_dma source(%dma_start3A_5 : memref<1000000xf32, #tpu.memory_space<vmem_shared>>) target(%arg7 : memref<12800xf32, #tpu.memory_space<vmem>>) offsets(%arg5 : memref<12800xi32, #tpu.memory_space<vmem>>) semaphore(%arg10 : memref<!tpu.dma_semaphore, #tpu.memory_space<semaphore_mem>>)
    %add3A_6 = arith.constant 12800 : i32
    %add3A_7 = arith.addi %mul3A_2, %add3A_6 : i32
    "tpu.region"() ({
      %run_scoped3A = tpu.sem_alloc : memref<!tpu.dma_semaphore, #tpu.memory_space<semaphore_mem>>
      %dma_start3A_65 = tpu.memref_slice %arg2[%add3A_7] : memref<3276800xi32, #tpu.memory_space<hbm>> -> memref<12800xi32, #tpu.memory_space<hbm>>
      %dma_start3A_66 = tpu.memref_slice %arg2[%add3A_7] : memref<3276800xi32, #tpu.memory_space<hbm>> -> memref<12800xi32, #tpu.memory_space<hbm>>
      tpu.enqueue_dma source(%dma_start3A_66 : memref<12800xi32, #tpu.memory_space<hbm>>) target(%arg6 : memref<12800xi32, #tpu.memory_space<vmem>>) target_semaphore(%run_scoped3A : memref<!tpu.dma_semaphore, #tpu.memory_space<semaphore_mem>>)
      %dma_wait3A_67 = tpu.memref_slice %arg2[%add3A_7] : memref<3276800xi32, #tpu.memory_space<hbm>> -> memref<12800xi32, #tpu.memory_space<hbm>>
      %dma_wait3A_68 = tpu.memref_slice %arg2[%add3A_7] : memref<3276800xi32, #tpu.memory_space<hbm>> -> memref<12800xi32, #tpu.memory_space<hbm>>
      tpu.wait_dma2 semaphore(%run_scoped3A : memref<!tpu.dma_semaphore, #tpu.memory_space<semaphore_mem>>) src(%dma_wait3A_68 : memref<12800xi32, #tpu.memory_space<hbm>>) dst(%arg6 : memref<12800xi32, #tpu.memory_space<vmem>>)
      tpu.yield
    }) : () -> ()
    %dma_wait3A = arith.constant 0 : i32
    %dma_wait3A_8 = tpu.memref_slice %arg9[%dma_wait3A] : memref<1000000xf32, #tpu.memory_space<vmem_shared>> -> memref<1000000xf32, #tpu.memory_space<vmem_shared>>
    tpu.wait_indirect_dma semaphore(%arg10 : memref<!tpu.dma_semaphore, #tpu.memory_space<semaphore_mem>>) src(%dma_wait3A_8 : memref<1000000xf32, #tpu.memory_space<vmem_shared>>) dst(%arg7 : memref<12800xf32, #tpu.memory_space<vmem>>)
    %add3A_9 = arith.constant 0 : i32
    %add3A_10 = arith.addi %mul3A_2, %add3A_9 : i32
    "tpu.region"() ({
      %run_scoped3A = tpu.sem_alloc : memref<!tpu.dma_semaphore, #tpu.memory_space<semaphore_mem>>
      %dma_start3A_65 = tpu.memref_slice %arg4[%add3A_10] : memref<3276800xf32, #tpu.memory_space<hbm>> -> memref<12800xf32, #tpu.memory_space<hbm>>
      %dma_start3A_66 = tpu.memref_slice %arg4[%add3A_10] : memref<3276800xf32, #tpu.memory_space<hbm>> -> memref<12800xf32, #tpu.memory_space<hbm>>
      tpu.enqueue_dma source(%arg7 : memref<12800xf32, #tpu.memory_space<vmem>>) target(%dma_start3A_66 : memref<12800xf32, #tpu.memory_space<hbm>>) target_semaphore(%run_scoped3A : memref<!tpu.dma_semaphore, #tpu.memory_space<semaphore_mem>>)
      %dma_wait3A_67 = tpu.memref_slice %arg4[%add3A_10] : memref<3276800xf32, #tpu.memory_space<hbm>> -> memref<12800xf32, #tpu.memory_space<hbm>>
      %dma_wait3A_68 = tpu.memref_slice %arg4[%add3A_10] : memref<3276800xf32, #tpu.memory_space<hbm>> -> memref<12800xf32, #tpu.memory_space<hbm>>
      tpu.wait_dma2 semaphore(%run_scoped3A : memref<!tpu.dma_semaphore, #tpu.memory_space<semaphore_mem>>) src(%arg7 : memref<12800xf32, #tpu.memory_space<vmem>>) dst(%dma_wait3A_68 : memref<12800xf32, #tpu.memory_space<hbm>>)
      tpu.yield
    }) : () -> ()
    %dma_start3A_11 = arith.constant 0 : i32
    %dma_start3A_12 = tpu.memref_slice %arg9[%dma_start3A_11] : memref<1000000xf32, #tpu.memory_space<vmem_shared>> -> memref<1000000xf32, #tpu.memory_space<vmem_shared>>
    tpu.enqueue_indirect_dma source(%dma_start3A_12 : memref<1000000xf32, #tpu.memory_space<vmem_shared>>) target(%arg8 : memref<12800xf32, #tpu.memory_space<vmem>>) offsets(%arg6 : memref<12800xi32, #tpu.memory_space<vmem>>) semaphore(%arg11 : memref<!tpu.dma_semaphore, #tpu.memory_space<semaphore_mem>>)
    %add3A_13 = arith.constant 25600 : i32
    %add3A_14 = arith.addi %mul3A_2, %add3A_13 : i32
    "tpu.region"() ({
      %run_scoped3A = tpu.sem_alloc : memref<!tpu.dma_semaphore, #tpu.memory_space<semaphore_mem>>
      %dma_start3A_65 = tpu.memref_slice %arg2[%add3A_14] : memref<3276800xi32, #tpu.memory_space<hbm>> -> memref<12800xi32, #tpu.memory_space<hbm>>
      %dma_start3A_66 = tpu.memref_slice %arg2[%add3A_14] : memref<3276800xi32, #tpu.memory_space<hbm>> -> memref<12800xi32, #tpu.memory_space<hbm>>
      tpu.enqueue_dma source(%dma_start3A_66 : memref<12800xi32, #tpu.memory_space<hbm>>) target(%arg5 : memref<12800xi32, #tpu.memory_space<vmem>>) target_semaphore(%run_scoped3A : memref<!tpu.dma_semaphore, #tpu.memory_space<semaphore_mem>>)
      %dma_wait3A_67 = tpu.memref_slice %arg2[%add3A_14] : memref<3276800xi32, #tpu.memory_space<hbm>> -> memref<12800xi32, #tpu.memory_space<hbm>>
      %dma_wait3A_68 = tpu.memref_slice %arg2[%add3A_14] : memref<3276800xi32, #tpu.memory_space<hbm>> -> memref<12800xi32, #tpu.memory_space<hbm>>
      tpu.wait_dma2 semaphore(%run_scoped3A : memref<!tpu.dma_semaphore, #tpu.memory_space<semaphore_mem>>) src(%dma_wait3A_68 : memref<12800xi32, #tpu.memory_space<hbm>>) dst(%arg5 : memref<12800xi32, #tpu.memory_space<vmem>>)
      tpu.yield
    }) : () -> ()
    %dma_wait3A_15 = arith.constant 0 : i32
    %dma_wait3A_16 = tpu.memref_slice %arg9[%dma_wait3A_15] : memref<1000000xf32, #tpu.memory_space<vmem_shared>> -> memref<1000000xf32, #tpu.memory_space<vmem_shared>>
    tpu.wait_indirect_dma semaphore(%arg11 : memref<!tpu.dma_semaphore, #tpu.memory_space<semaphore_mem>>) src(%dma_wait3A_16 : memref<1000000xf32, #tpu.memory_space<vmem_shared>>) dst(%arg8 : memref<12800xf32, #tpu.memory_space<vmem>>)
    %add3A_17 = arith.constant 12800 : i32
    %add3A_18 = arith.addi %mul3A_2, %add3A_17 : i32
    "tpu.region"() ({
      %run_scoped3A = tpu.sem_alloc : memref<!tpu.dma_semaphore, #tpu.memory_space<semaphore_mem>>
      %dma_start3A_65 = tpu.memref_slice %arg4[%add3A_18] : memref<3276800xf32, #tpu.memory_space<hbm>> -> memref<12800xf32, #tpu.memory_space<hbm>>
      %dma_start3A_66 = tpu.memref_slice %arg4[%add3A_18] : memref<3276800xf32, #tpu.memory_space<hbm>> -> memref<12800xf32, #tpu.memory_space<hbm>>
      tpu.enqueue_dma source(%arg8 : memref<12800xf32, #tpu.memory_space<vmem>>) target(%dma_start3A_66 : memref<12800xf32, #tpu.memory_space<hbm>>) target_semaphore(%run_scoped3A : memref<!tpu.dma_semaphore, #tpu.memory_space<semaphore_mem>>)
      %dma_wait3A_67 = tpu.memref_slice %arg4[%add3A_18] : memref<3276800xf32, #tpu.memory_space<hbm>> -> memref<12800xf32, #tpu.memory_space<hbm>>
      %dma_wait3A_68 = tpu.memref_slice %arg4[%add3A_18] : memref<3276800xf32, #tpu.memory_space<hbm>> -> memref<12800xf32, #tpu.memory_space<hbm>>
      tpu.wait_dma2 semaphore(%run_scoped3A : memref<!tpu.dma_semaphore, #tpu.memory_space<semaphore_mem>>) src(%arg8 : memref<12800xf32, #tpu.memory_space<vmem>>) dst(%dma_wait3A_68 : memref<12800xf32, #tpu.memory_space<hbm>>)
      tpu.yield
    }) : () -> ()
    %dma_start3A_19 = arith.constant 0 : i32
    %dma_start3A_20 = tpu.memref_slice %arg9[%dma_start3A_19] : memref<1000000xf32, #tpu.memory_space<vmem_shared>> -> memref<1000000xf32, #tpu.memory_space<vmem_shared>>
    tpu.enqueue_indirect_dma source(%dma_start3A_20 : memref<1000000xf32, #tpu.memory_space<vmem_shared>>) target(%arg7 : memref<12800xf32, #tpu.memory_space<vmem>>) offsets(%arg5 : memref<12800xi32, #tpu.memory_space<vmem>>) semaphore(%arg10 : memref<!tpu.dma_semaphore, #tpu.memory_space<semaphore_mem>>)
    %add3A_21 = arith.constant 38400 : i32
    %add3A_22 = arith.addi %mul3A_2, %add3A_21 : i32
    "tpu.region"() ({
      %run_scoped3A = tpu.sem_alloc : memref<!tpu.dma_semaphore, #tpu.memory_space<semaphore_mem>>
      %dma_start3A_65 = tpu.memref_slice %arg2[%add3A_22] : memref<3276800xi32, #tpu.memory_space<hbm>> -> memref<12800xi32, #tpu.memory_space<hbm>>
      %dma_start3A_66 = tpu.memref_slice %arg2[%add3A_22] : memref<3276800xi32, #tpu.memory_space<hbm>> -> memref<12800xi32, #tpu.memory_space<hbm>>
      tpu.enqueue_dma source(%dma_start3A_66 : memref<12800xi32, #tpu.memory_space<hbm>>) target(%arg6 : memref<12800xi32, #tpu.memory_space<vmem>>) target_semaphore(%run_scoped3A : memref<!tpu.dma_semaphore, #tpu.memory_space<semaphore_mem>>)
      %dma_wait3A_67 = tpu.memref_slice %arg2[%add3A_22] : memref<3276800xi32, #tpu.memory_space<hbm>> -> memref<12800xi32, #tpu.memory_space<hbm>>
      %dma_wait3A_68 = tpu.memref_slice %arg2[%add3A_22] : memref<3276800xi32, #tpu.memory_space<hbm>> -> memref<12800xi32, #tpu.memory_space<hbm>>
      tpu.wait_dma2 semaphore(%run_scoped3A : memref<!tpu.dma_semaphore, #tpu.memory_space<semaphore_mem>>) src(%dma_wait3A_68 : memref<12800xi32, #tpu.memory_space<hbm>>) dst(%arg6 : memref<12800xi32, #tpu.memory_space<vmem>>)
      tpu.yield
    }) : () -> ()
    %dma_wait3A_23 = arith.constant 0 : i32
    %dma_wait3A_24 = tpu.memref_slice %arg9[%dma_wait3A_23] : memref<1000000xf32, #tpu.memory_space<vmem_shared>> -> memref<1000000xf32, #tpu.memory_space<vmem_shared>>
    tpu.wait_indirect_dma semaphore(%arg10 : memref<!tpu.dma_semaphore, #tpu.memory_space<semaphore_mem>>) src(%dma_wait3A_24 : memref<1000000xf32, #tpu.memory_space<vmem_shared>>) dst(%arg7 : memref<12800xf32, #tpu.memory_space<vmem>>)
    %add3A_25 = arith.constant 25600 : i32
    %add3A_26 = arith.addi %mul3A_2, %add3A_25 : i32
    "tpu.region"() ({
      %run_scoped3A = tpu.sem_alloc : memref<!tpu.dma_semaphore, #tpu.memory_space<semaphore_mem>>
      %dma_start3A_65 = tpu.memref_slice %arg4[%add3A_26] : memref<3276800xf32, #tpu.memory_space<hbm>> -> memref<12800xf32, #tpu.memory_space<hbm>>
      %dma_start3A_66 = tpu.memref_slice %arg4[%add3A_26] : memref<3276800xf32, #tpu.memory_space<hbm>> -> memref<12800xf32, #tpu.memory_space<hbm>>
      tpu.enqueue_dma source(%arg7 : memref<12800xf32, #tpu.memory_space<vmem>>) target(%dma_start3A_66 : memref<12800xf32, #tpu.memory_space<hbm>>) target_semaphore(%run_scoped3A : memref<!tpu.dma_semaphore, #tpu.memory_space<semaphore_mem>>)
      %dma_wait3A_67 = tpu.memref_slice %arg4[%add3A_26] : memref<3276800xf32, #tpu.memory_space<hbm>> -> memref<12800xf32, #tpu.memory_space<hbm>>
      %dma_wait3A_68 = tpu.memref_slice %arg4[%add3A_26] : memref<3276800xf32, #tpu.memory_space<hbm>> -> memref<12800xf32, #tpu.memory_space<hbm>>
      tpu.wait_dma2 semaphore(%run_scoped3A : memref<!tpu.dma_semaphore, #tpu.memory_space<semaphore_mem>>) src(%arg7 : memref<12800xf32, #tpu.memory_space<vmem>>) dst(%dma_wait3A_68 : memref<12800xf32, #tpu.memory_space<hbm>>)
      tpu.yield
    }) : () -> ()
    %dma_start3A_27 = arith.constant 0 : i32
    %dma_start3A_28 = tpu.memref_slice %arg9[%dma_start3A_27] : memref<1000000xf32, #tpu.memory_space<vmem_shared>> -> memref<1000000xf32, #tpu.memory_space<vmem_shared>>
    tpu.enqueue_indirect_dma source(%dma_start3A_28 : memref<1000000xf32, #tpu.memory_space<vmem_shared>>) target(%arg8 : memref<12800xf32, #tpu.memory_space<vmem>>) offsets(%arg6 : memref<12800xi32, #tpu.memory_space<vmem>>) semaphore(%arg11 : memref<!tpu.dma_semaphore, #tpu.memory_space<semaphore_mem>>)
    %add3A_29 = arith.constant 51200 : i32
    %add3A_30 = arith.addi %mul3A_2, %add3A_29 : i32
    "tpu.region"() ({
      %run_scoped3A = tpu.sem_alloc : memref<!tpu.dma_semaphore, #tpu.memory_space<semaphore_mem>>
      %dma_start3A_65 = tpu.memref_slice %arg2[%add3A_30] : memref<3276800xi32, #tpu.memory_space<hbm>> -> memref<12800xi32, #tpu.memory_space<hbm>>
      %dma_start3A_66 = tpu.memref_slice %arg2[%add3A_30] : memref<3276800xi32, #tpu.memory_space<hbm>> -> memref<12800xi32, #tpu.memory_space<hbm>>
      tpu.enqueue_dma source(%dma_start3A_66 : memref<12800xi32, #tpu.memory_space<hbm>>) target(%arg5 : memref<12800xi32, #tpu.memory_space<vmem>>) target_semaphore(%run_scoped3A : memref<!tpu.dma_semaphore, #tpu.memory_space<semaphore_mem>>)
      %dma_wait3A_67 = tpu.memref_slice %arg2[%add3A_30] : memref<3276800xi32, #tpu.memory_space<hbm>> -> memref<12800xi32, #tpu.memory_space<hbm>>
      %dma_wait3A_68 = tpu.memref_slice %arg2[%add3A_30] : memref<3276800xi32, #tpu.memory_space<hbm>> -> memref<12800xi32, #tpu.memory_space<hbm>>
      tpu.wait_dma2 semaphore(%run_scoped3A : memref<!tpu.dma_semaphore, #tpu.memory_space<semaphore_mem>>) src(%dma_wait3A_68 : memref<12800xi32, #tpu.memory_space<hbm>>) dst(%arg5 : memref<12800xi32, #tpu.memory_space<vmem>>)
      tpu.yield
    }) : () -> ()
    %dma_wait3A_31 = arith.constant 0 : i32
    %dma_wait3A_32 = tpu.memref_slice %arg9[%dma_wait3A_31] : memref<1000000xf32, #tpu.memory_space<vmem_shared>> -> memref<1000000xf32, #tpu.memory_space<vmem_shared>>
    tpu.wait_indirect_dma semaphore(%arg11 : memref<!tpu.dma_semaphore, #tpu.memory_space<semaphore_mem>>) src(%dma_wait3A_32 : memref<1000000xf32, #tpu.memory_space<vmem_shared>>) dst(%arg8 : memref<12800xf32, #tpu.memory_space<vmem>>)
    %add3A_33 = arith.constant 38400 : i32
    %add3A_34 = arith.addi %mul3A_2, %add3A_33 : i32
    "tpu.region"() ({
      %run_scoped3A = tpu.sem_alloc : memref<!tpu.dma_semaphore, #tpu.memory_space<semaphore_mem>>
      %dma_start3A_65 = tpu.memref_slice %arg4[%add3A_34] : memref<3276800xf32, #tpu.memory_space<hbm>> -> memref<12800xf32, #tpu.memory_space<hbm>>
      %dma_start3A_66 = tpu.memref_slice %arg4[%add3A_34] : memref<3276800xf32, #tpu.memory_space<hbm>> -> memref<12800xf32, #tpu.memory_space<hbm>>
      tpu.enqueue_dma source(%arg8 : memref<12800xf32, #tpu.memory_space<vmem>>) target(%dma_start3A_66 : memref<12800xf32, #tpu.memory_space<hbm>>) target_semaphore(%run_scoped3A : memref<!tpu.dma_semaphore, #tpu.memory_space<semaphore_mem>>)
      %dma_wait3A_67 = tpu.memref_slice %arg4[%add3A_34] : memref<3276800xf32, #tpu.memory_space<hbm>> -> memref<12800xf32, #tpu.memory_space<hbm>>
      %dma_wait3A_68 = tpu.memref_slice %arg4[%add3A_34] : memref<3276800xf32, #tpu.memory_space<hbm>> -> memref<12800xf32, #tpu.memory_space<hbm>>
      tpu.wait_dma2 semaphore(%run_scoped3A : memref<!tpu.dma_semaphore, #tpu.memory_space<semaphore_mem>>) src(%arg8 : memref<12800xf32, #tpu.memory_space<vmem>>) dst(%dma_wait3A_68 : memref<12800xf32, #tpu.memory_space<hbm>>)
      tpu.yield
    }) : () -> ()
    %dma_start3A_35 = arith.constant 0 : i32
    %dma_start3A_36 = tpu.memref_slice %arg9[%dma_start3A_35] : memref<1000000xf32, #tpu.memory_space<vmem_shared>> -> memref<1000000xf32, #tpu.memory_space<vmem_shared>>
    tpu.enqueue_indirect_dma source(%dma_start3A_36 : memref<1000000xf32, #tpu.memory_space<vmem_shared>>) target(%arg7 : memref<12800xf32, #tpu.memory_space<vmem>>) offsets(%arg5 : memref<12800xi32, #tpu.memory_space<vmem>>) semaphore(%arg10 : memref<!tpu.dma_semaphore, #tpu.memory_space<semaphore_mem>>)
    %add3A_37 = arith.constant 64000 : i32
    %add3A_38 = arith.addi %mul3A_2, %add3A_37 : i32
    "tpu.region"() ({
      %run_scoped3A = tpu.sem_alloc : memref<!tpu.dma_semaphore, #tpu.memory_space<semaphore_mem>>
      %dma_start3A_65 = tpu.memref_slice %arg2[%add3A_38] : memref<3276800xi32, #tpu.memory_space<hbm>> -> memref<12800xi32, #tpu.memory_space<hbm>>
      %dma_start3A_66 = tpu.memref_slice %arg2[%add3A_38] : memref<3276800xi32, #tpu.memory_space<hbm>> -> memref<12800xi32, #tpu.memory_space<hbm>>
      tpu.enqueue_dma source(%dma_start3A_66 : memref<12800xi32, #tpu.memory_space<hbm>>) target(%arg6 : memref<12800xi32, #tpu.memory_space<vmem>>) target_semaphore(%run_scoped3A : memref<!tpu.dma_semaphore, #tpu.memory_space<semaphore_mem>>)
      %dma_wait3A_67 = tpu.memref_slice %arg2[%add3A_38] : memref<3276800xi32, #tpu.memory_space<hbm>> -> memref<12800xi32, #tpu.memory_space<hbm>>
      %dma_wait3A_68 = tpu.memref_slice %arg2[%add3A_38] : memref<3276800xi32, #tpu.memory_space<hbm>> -> memref<12800xi32, #tpu.memory_space<hbm>>
      tpu.wait_dma2 semaphore(%run_scoped3A : memref<!tpu.dma_semaphore, #tpu.memory_space<semaphore_mem>>) src(%dma_wait3A_68 : memref<12800xi32, #tpu.memory_space<hbm>>) dst(%arg6 : memref<12800xi32, #tpu.memory_space<vmem>>)
      tpu.yield
    }) : () -> ()
    %dma_wait3A_39 = arith.constant 0 : i32
    %dma_wait3A_40 = tpu.memref_slice %arg9[%dma_wait3A_39] : memref<1000000xf32, #tpu.memory_space<vmem_shared>> -> memref<1000000xf32, #tpu.memory_space<vmem_shared>>
    tpu.wait_indirect_dma semaphore(%arg10 : memref<!tpu.dma_semaphore, #tpu.memory_space<semaphore_mem>>) src(%dma_wait3A_40 : memref<1000000xf32, #tpu.memory_space<vmem_shared>>) dst(%arg7 : memref<12800xf32, #tpu.memory_space<vmem>>)
    %add3A_41 = arith.constant 51200 : i32
    %add3A_42 = arith.addi %mul3A_2, %add3A_41 : i32
    "tpu.region"() ({
      %run_scoped3A = tpu.sem_alloc : memref<!tpu.dma_semaphore, #tpu.memory_space<semaphore_mem>>
      %dma_start3A_65 = tpu.memref_slice %arg4[%add3A_42] : memref<3276800xf32, #tpu.memory_space<hbm>> -> memref<12800xf32, #tpu.memory_space<hbm>>
      %dma_start3A_66 = tpu.memref_slice %arg4[%add3A_42] : memref<3276800xf32, #tpu.memory_space<hbm>> -> memref<12800xf32, #tpu.memory_space<hbm>>
      tpu.enqueue_dma source(%arg7 : memref<12800xf32, #tpu.memory_space<vmem>>) target(%dma_start3A_66 : memref<12800xf32, #tpu.memory_space<hbm>>) target_semaphore(%run_scoped3A : memref<!tpu.dma_semaphore, #tpu.memory_space<semaphore_mem>>)
      %dma_wait3A_67 = tpu.memref_slice %arg4[%add3A_42] : memref<3276800xf32, #tpu.memory_space<hbm>> -> memref<12800xf32, #tpu.memory_space<hbm>>
      %dma_wait3A_68 = tpu.memref_slice %arg4[%add3A_42] : memref<3276800xf32, #tpu.memory_space<hbm>> -> memref<12800xf32, #tpu.memory_space<hbm>>
      tpu.wait_dma2 semaphore(%run_scoped3A : memref<!tpu.dma_semaphore, #tpu.memory_space<semaphore_mem>>) src(%arg7 : memref<12800xf32, #tpu.memory_space<vmem>>) dst(%dma_wait3A_68 : memref<12800xf32, #tpu.memory_space<hbm>>)
      tpu.yield
    }) : () -> ()
    %dma_start3A_43 = arith.constant 0 : i32
    %dma_start3A_44 = tpu.memref_slice %arg9[%dma_start3A_43] : memref<1000000xf32, #tpu.memory_space<vmem_shared>> -> memref<1000000xf32, #tpu.memory_space<vmem_shared>>
    tpu.enqueue_indirect_dma source(%dma_start3A_44 : memref<1000000xf32, #tpu.memory_space<vmem_shared>>) target(%arg8 : memref<12800xf32, #tpu.memory_space<vmem>>) offsets(%arg6 : memref<12800xi32, #tpu.memory_space<vmem>>) semaphore(%arg11 : memref<!tpu.dma_semaphore, #tpu.memory_space<semaphore_mem>>)
    %add3A_45 = arith.constant 76800 : i32
    %add3A_46 = arith.addi %mul3A_2, %add3A_45 : i32
    "tpu.region"() ({
      %run_scoped3A = tpu.sem_alloc : memref<!tpu.dma_semaphore, #tpu.memory_space<semaphore_mem>>
      %dma_start3A_65 = tpu.memref_slice %arg2[%add3A_46] : memref<3276800xi32, #tpu.memory_space<hbm>> -> memref<12800xi32, #tpu.memory_space<hbm>>
      %dma_start3A_66 = tpu.memref_slice %arg2[%add3A_46] : memref<3276800xi32, #tpu.memory_space<hbm>> -> memref<12800xi32, #tpu.memory_space<hbm>>
      tpu.enqueue_dma source(%dma_start3A_66 : memref<12800xi32, #tpu.memory_space<hbm>>) target(%arg5 : memref<12800xi32, #tpu.memory_space<vmem>>) target_semaphore(%run_scoped3A : memref<!tpu.dma_semaphore, #tpu.memory_space<semaphore_mem>>)
      %dma_wait3A_67 = tpu.memref_slice %arg2[%add3A_46] : memref<3276800xi32, #tpu.memory_space<hbm>> -> memref<12800xi32, #tpu.memory_space<hbm>>
      %dma_wait3A_68 = tpu.memref_slice %arg2[%add3A_46] : memref<3276800xi32, #tpu.memory_space<hbm>> -> memref<12800xi32, #tpu.memory_space<hbm>>
      tpu.wait_dma2 semaphore(%run_scoped3A : memref<!tpu.dma_semaphore, #tpu.memory_space<semaphore_mem>>) src(%dma_wait3A_68 : memref<12800xi32, #tpu.memory_space<hbm>>) dst(%arg5 : memref<12800xi32, #tpu.memory_space<vmem>>)
      tpu.yield
    }) : () -> ()
    %dma_wait3A_47 = arith.constant 0 : i32
    %dma_wait3A_48 = tpu.memref_slice %arg9[%dma_wait3A_47] : memref<1000000xf32, #tpu.memory_space<vmem_shared>> -> memref<1000000xf32, #tpu.memory_space<vmem_shared>>
    tpu.wait_indirect_dma semaphore(%arg11 : memref<!tpu.dma_semaphore, #tpu.memory_space<semaphore_mem>>) src(%dma_wait3A_48 : memref<1000000xf32, #tpu.memory_space<vmem_shared>>) dst(%arg8 : memref<12800xf32, #tpu.memory_space<vmem>>)
    %add3A_49 = arith.constant 64000 : i32
    %add3A_50 = arith.addi %mul3A_2, %add3A_49 : i32
    "tpu.region"() ({
      %run_scoped3A = tpu.sem_alloc : memref<!tpu.dma_semaphore, #tpu.memory_space<semaphore_mem>>
      %dma_start3A_65 = tpu.memref_slice %arg4[%add3A_50] : memref<3276800xf32, #tpu.memory_space<hbm>> -> memref<12800xf32, #tpu.memory_space<hbm>>
      %dma_start3A_66 = tpu.memref_slice %arg4[%add3A_50] : memref<3276800xf32, #tpu.memory_space<hbm>> -> memref<12800xf32, #tpu.memory_space<hbm>>
      tpu.enqueue_dma source(%arg8 : memref<12800xf32, #tpu.memory_space<vmem>>) target(%dma_start3A_66 : memref<12800xf32, #tpu.memory_space<hbm>>) target_semaphore(%run_scoped3A : memref<!tpu.dma_semaphore, #tpu.memory_space<semaphore_mem>>)
      %dma_wait3A_67 = tpu.memref_slice %arg4[%add3A_50] : memref<3276800xf32, #tpu.memory_space<hbm>> -> memref<12800xf32, #tpu.memory_space<hbm>>
      %dma_wait3A_68 = tpu.memref_slice %arg4[%add3A_50] : memref<3276800xf32, #tpu.memory_space<hbm>> -> memref<12800xf32, #tpu.memory_space<hbm>>
      tpu.wait_dma2 semaphore(%run_scoped3A : memref<!tpu.dma_semaphore, #tpu.memory_space<semaphore_mem>>) src(%arg8 : memref<12800xf32, #tpu.memory_space<vmem>>) dst(%dma_wait3A_68 : memref<12800xf32, #tpu.memory_space<hbm>>)
      tpu.yield
    }) : () -> ()
    %dma_start3A_51 = arith.constant 0 : i32
    %dma_start3A_52 = tpu.memref_slice %arg9[%dma_start3A_51] : memref<1000000xf32, #tpu.memory_space<vmem_shared>> -> memref<1000000xf32, #tpu.memory_space<vmem_shared>>
    tpu.enqueue_indirect_dma source(%dma_start3A_52 : memref<1000000xf32, #tpu.memory_space<vmem_shared>>) target(%arg7 : memref<12800xf32, #tpu.memory_space<vmem>>) offsets(%arg5 : memref<12800xi32, #tpu.memory_space<vmem>>) semaphore(%arg10 : memref<!tpu.dma_semaphore, #tpu.memory_space<semaphore_mem>>)
    %add3A_53 = arith.constant 89600 : i32
    %add3A_54 = arith.addi %mul3A_2, %add3A_53 : i32
    "tpu.region"() ({
      %run_scoped3A = tpu.sem_alloc : memref<!tpu.dma_semaphore, #tpu.memory_space<semaphore_mem>>
      %dma_start3A_65 = tpu.memref_slice %arg2[%add3A_54] : memref<3276800xi32, #tpu.memory_space<hbm>> -> memref<12800xi32, #tpu.memory_space<hbm>>
      %dma_start3A_66 = tpu.memref_slice %arg2[%add3A_54] : memref<3276800xi32, #tpu.memory_space<hbm>> -> memref<12800xi32, #tpu.memory_space<hbm>>
      tpu.enqueue_dma source(%dma_start3A_66 : memref<12800xi32, #tpu.memory_space<hbm>>) target(%arg6 : memref<12800xi32, #tpu.memory_space<vmem>>) target_semaphore(%run_scoped3A : memref<!tpu.dma_semaphore, #tpu.memory_space<semaphore_mem>>)
      %dma_wait3A_67 = tpu.memref_slice %arg2[%add3A_54] : memref<3276800xi32, #tpu.memory_space<hbm>> -> memref<12800xi32, #tpu.memory_space<hbm>>
      %dma_wait3A_68 = tpu.memref_slice %arg2[%add3A_54] : memref<3276800xi32, #tpu.memory_space<hbm>> -> memref<12800xi32, #tpu.memory_space<hbm>>
      tpu.wait_dma2 semaphore(%run_scoped3A : memref<!tpu.dma_semaphore, #tpu.memory_space<semaphore_mem>>) src(%dma_wait3A_68 : memref<12800xi32, #tpu.memory_space<hbm>>) dst(%arg6 : memref<12800xi32, #tpu.memory_space<vmem>>)
      tpu.yield
    }) : () -> ()
    %dma_wait3A_55 = arith.constant 0 : i32
    %dma_wait3A_56 = tpu.memref_slice %arg9[%dma_wait3A_55] : memref<1000000xf32, #tpu.memory_space<vmem_shared>> -> memref<1000000xf32, #tpu.memory_space<vmem_shared>>
    tpu.wait_indirect_dma semaphore(%arg10 : memref<!tpu.dma_semaphore, #tpu.memory_space<semaphore_mem>>) src(%dma_wait3A_56 : memref<1000000xf32, #tpu.memory_space<vmem_shared>>) dst(%arg7 : memref<12800xf32, #tpu.memory_space<vmem>>)
    %add3A_57 = arith.constant 76800 : i32
    %add3A_58 = arith.addi %mul3A_2, %add3A_57 : i32
    "tpu.region"() ({
      %run_scoped3A = tpu.sem_alloc : memref<!tpu.dma_semaphore, #tpu.memory_space<semaphore_mem>>
      %dma_start3A_65 = tpu.memref_slice %arg4[%add3A_58] : memref<3276800xf32, #tpu.memory_space<hbm>> -> memref<12800xf32, #tpu.memory_space<hbm>>
      %dma_start3A_66 = tpu.memref_slice %arg4[%add3A_58] : memref<3276800xf32, #tpu.memory_space<hbm>> -> memref<12800xf32, #tpu.memory_space<hbm>>
      tpu.enqueue_dma source(%arg7 : memref<12800xf32, #tpu.memory_space<vmem>>) target(%dma_start3A_66 : memref<12800xf32, #tpu.memory_space<hbm>>) target_semaphore(%run_scoped3A : memref<!tpu.dma_semaphore, #tpu.memory_space<semaphore_mem>>)
      %dma_wait3A_67 = tpu.memref_slice %arg4[%add3A_58] : memref<3276800xf32, #tpu.memory_space<hbm>> -> memref<12800xf32, #tpu.memory_space<hbm>>
      %dma_wait3A_68 = tpu.memref_slice %arg4[%add3A_58] : memref<3276800xf32, #tpu.memory_space<hbm>> -> memref<12800xf32, #tpu.memory_space<hbm>>
      tpu.wait_dma2 semaphore(%run_scoped3A : memref<!tpu.dma_semaphore, #tpu.memory_space<semaphore_mem>>) src(%arg7 : memref<12800xf32, #tpu.memory_space<vmem>>) dst(%dma_wait3A_68 : memref<12800xf32, #tpu.memory_space<hbm>>)
      tpu.yield
    }) : () -> ()
    %dma_start3A_59 = arith.constant 0 : i32
    %dma_start3A_60 = tpu.memref_slice %arg9[%dma_start3A_59] : memref<1000000xf32, #tpu.memory_space<vmem_shared>> -> memref<1000000xf32, #tpu.memory_space<vmem_shared>>
    tpu.enqueue_indirect_dma source(%dma_start3A_60 : memref<1000000xf32, #tpu.memory_space<vmem_shared>>) target(%arg8 : memref<12800xf32, #tpu.memory_space<vmem>>) offsets(%arg6 : memref<12800xi32, #tpu.memory_space<vmem>>) semaphore(%arg11 : memref<!tpu.dma_semaphore, #tpu.memory_space<semaphore_mem>>)
    %dma_wait3A_61 = arith.constant 0 : i32
    %dma_wait3A_62 = tpu.memref_slice %arg9[%dma_wait3A_61] : memref<1000000xf32, #tpu.memory_space<vmem_shared>> -> memref<1000000xf32, #tpu.memory_space<vmem_shared>>
    tpu.wait_indirect_dma semaphore(%arg11 : memref<!tpu.dma_semaphore, #tpu.memory_space<semaphore_mem>>) src(%dma_wait3A_62 : memref<1000000xf32, #tpu.memory_space<vmem_shared>>) dst(%arg8 : memref<12800xf32, #tpu.memory_space<vmem>>)
    %add3A_63 = arith.constant 89600 : i32
    %add3A_64 = arith.addi %mul3A_2, %add3A_63 : i32
    "tpu.region"() ({
      %run_scoped3A = tpu.sem_alloc : memref<!tpu.dma_semaphore, #tpu.memory_space<semaphore_mem>>
      %dma_start3A_65 = tpu.memref_slice %arg4[%add3A_64] : memref<3276800xf32, #tpu.memory_space<hbm>> -> memref<12800xf32, #tpu.memory_space<hbm>>
      %dma_start3A_66 = tpu.memref_slice %arg4[%add3A_64] : memref<3276800xf32, #tpu.memory_space<hbm>> -> memref<12800xf32, #tpu.memory_space<hbm>>
      tpu.enqueue_dma source(%arg8 : memref<12800xf32, #tpu.memory_space<vmem>>) target(%dma_start3A_66 : memref<12800xf32, #tpu.memory_space<hbm>>) target_semaphore(%run_scoped3A : memref<!tpu.dma_semaphore, #tpu.memory_space<semaphore_mem>>)
      %dma_wait3A_67 = tpu.memref_slice %arg4[%add3A_64] : memref<3276800xf32, #tpu.memory_space<hbm>> -> memref<12800xf32, #tpu.memory_space<hbm>>
      %dma_wait3A_68 = tpu.memref_slice %arg4[%add3A_64] : memref<3276800xf32, #tpu.memory_space<hbm>> -> memref<12800xf32, #tpu.memory_space<hbm>>
      tpu.wait_dma2 semaphore(%run_scoped3A : memref<!tpu.dma_semaphore, #tpu.memory_space<semaphore_mem>>) src(%arg8 : memref<12800xf32, #tpu.memory_space<vmem>>) dst(%dma_wait3A_68 : memref<12800xf32, #tpu.memory_space<hbm>>)
      tpu.yield
    }) : () -> ()
    return
  }
}

</mosaic_0001>

<sc_bundles>
// kernel: kernel.3.cloned.1.call-start
scs
__scs_entry_jumppad:
0x0: {  	(pc) =	sbr.rel $0x88, $3  }
0x1: {  	(tag) =	ssettag $0x0;
	lr =	simm.s32 $0x1  }
0x2: {  	[smem:$0x3F9F] =	sst lr;
	_ =	strace $0xD0000000  }
0x3: {  	_ = 	snop  }
0x4: {  	_ = 	snop  }
0x5: {  	_ = 	snop  }
0x6: {  	_ = 	snop  }
0x7: {  	_ = 	snop  }
__scs_overlays_trampoline_lowered:
0x8: {  	[smem:$0x3FAE] =	sst s0  }
0x9: {  	[smem:$0x3FAF] =	sst s1  }
0xa: {  	[smem:$0x3FB0] =	sst s2  }
0xb: {  	[smem:$0x3FB1] =	sst s3  }
0xc: {  	[smem:$0x3FB2] =	sst s4  }
0xd: {  	[smem:$0x3FB3] =	sst s5  }
0xe: {  	[smem:$0x3FB4] =	sst s6  }
0xf: {  	[smem:$0x3FB5] =	sst s7  }
0x10: {  	[smem:$0x3FB6] =	sst s8  }
0x11: {  	[smem:$0x3FB7] =	sst s9;
	s0 =	simm.s32 @!p0 $0x0  }
0x12: {  	s1 =	sld [smem:$0x3F9D];
	s0 =	simm.s32 @p0 $0x1  }
0x13: {  	[smem:$0x3FB8] =	sst s0;
	s0 =	simm.s32 @!p1 $0x0  }
0x14: {  	s2 =	sld [smem:$0x3F9C];
	s0 =	simm.s32 @p1 $0x1  }
0x15: {  	[smem:$0x3FB9] =	sst s0;
	s0 =	simm.s32 @!p2 $0x0  }
0x16: {  	s3 =	sld [smem:$0x3FDB];
	s0 =	simm.s32 @p2 $0x1  }
0x17: {  	s4 =	simm.s32 $0x1BF5;
	[smem:$0x3FBB] =	sst s0  }
0x18: {  	s0 =	sld [smem:$0x3F9E];
	_ =	swait.ge [sflag:s4], $0x0  }
0x19: {  	s7 =	sld [smem:$0x3F9F]  }
0x1a: {  	s8 =	sadd.s32 $0xFFFFE003, lr  }
0x1b: {  	s9 =	sadd.s32 $0xFFFFFEF7, lr;
	s5 =	simm.s32 $0xFFFFFFFF;
	p2 =	slt.u32 s8, $0xFFFFF086  }
0x1c: {  	p1 =	slt.u32 s9, $0xF7A;
	s5 =	simm.s32 @!p2 $0x0  }
0x1d: {  	s5 =	simm.s32 @p1 $0x1;
	p0 =	seq.s32 s7, s2  }
0x1e: {  	s7 =	smul.u32 @!p0 $0xF7A, s2;
	p2 =	seq.s32 @!p0 s5, $0x0  }
0x1f: {  	s9 =	smul.u32 $0xF7A, s1;
	s8 =	simm.s32 @!p0 $0x1BF5;
	p2 =	por !p2, p0  }
0x20: {  	[sflag:s8] =	ssyncset.s32 @!p0 $0xFFFFF086;
	s6 =	sadd.s32 @!p0 s3, s7;
	s7 =	simm.s32 @!p0 $0x108  }
0x21: {  	s3 =	sadd.s32 s3, s9;
	s6 =	sadd.s32 @!p0 $0x88, s6;
	s7 =	simm.s32 @p2 $0x1082  }
0x22: {  	[simem:s7], [sflag:s8] =	dma.local @!p0 [hbm:s6], $0xF7A  }
0x23: {  	s9 =	sor.u32 $0xD0000000, s2;
	s6 =	simm.s32 $0x108;
	_ =	swait.ge @!p0 [sflag:s8], $0x0  }
0x24: {  	s3 =	sadd.s32 $0x88, s3;
	s6 =	simm.s32 @!p1 $0x1082;
	[sflag:s4] =	ssyncset.s32 $0xFFFFF086  }
0x25: {  	[simem:s6], [sflag:s4] =	dma.local [hbm:s3], $0xF7A  }
0x26: {  	[smem:$0x3F9F] =	sst s1;
	(tag) =	ssettag s2;
	_ =	strace s9  }
0x27: {  	s1 =	sld [smem:$0x3FAF]  }
0x28: {  	s2 =	sld [smem:$0x3FB0]  }
0x29: {  	s4 =	sld [smem:$0x3FB2]  }
0x2a: {  	p0 =	seq.s32 s5, $0x0;
	s5 =	sld [smem:$0x3FB3]  }
0x2b: {  	s6 =	sld [smem:$0x3FB4]  }
0x2c: {  	s7 =	sld [smem:$0x3FB5]  }
0x2d: {  	s3 =	simm.s32 $0x108;
	s8 =	sld [smem:$0x3FB6]  }
0x2e: {  	s3 =	simm.s32 @!p0 $0x1082;
	s9 =	sld [smem:$0x3FB7]  }
0x2f: {  	lr =	sadd.s32 s0, s3;
	s0 =	sld [smem:$0x3FAE]  }
0x30: {  	s3 =	sld [smem:$0x3FB1]  }
0x31: {  	[smem:$0x3FBA] =	sst s10  }
0x32: {  	s10 =	sld [smem:$0x3FB8];
	_ =	sdelay $0x3  }
0x33: {  	p0 =	seq.s32 s10, $0x1;
	s10 =	sld [smem:$0x3FBA];
	_ =	sdelay $0x3  }
0x34: {  	[smem:$0x3FBA] =	sst s10  }
0x35: {  	s10 =	sld [smem:$0x3FB9];
	_ =	sdelay $0x3  }
0x36: {  	p1 =	seq.s32 s10, $0x1;
	s10 =	sld [smem:$0x3FBA];
	_ =	sdelay $0x3  }
0x37: {  	[smem:$0x3FBA] =	sst s10  }
0x38: {  	s10 =	sld [smem:$0x3FBB]  }
0x39: {  	_ = 	snop;
	(pc) =	sbr.ind lr, $3  }
0x3a: {  	_ = 	snop  }
0x3b: {  	_ = 	snop  }
0x3c: {  	p2 =	seq.s32 s10, $0x1;
	s10 =	sld [smem:$0x3FBA]  }
0x3d: {  	_ =	shalt  }
0x3e: {  	_ =	shalt  }
0x3f: {  	_ =	shalt  }
0x40: {  	_ =	shalt  }
0x41: {  	_ =	shalt  }
0x42: {  	_ =	shalt  }
0x43: {  	_ =	shalt  }
0x44: {  	_ =	shalt  }
0x45: {  	_ =	shalt  }
0x46: {  	_ =	shalt  }
0x47: {  	_ =	shalt  }
0x48: {  	_ =	shalt  }
0x49: {  	_ =	shalt  }
0x4a: {  	_ =	shalt  }
0x4b: {  	_ =	shalt  }
0x4c: {  	_ =	shalt  }
0x4d: {  	_ =	shalt  }
0x4e: {  	_ =	shalt  }
0x4f: {  	_ =	shalt  }
0x50: {  	_ =	shalt  }
0x51: {  	_ =	shalt  }
0x52: {  	_ =	shalt  }
0x53: {  	_ =	shalt  }
0x54: {  	_ =	shalt  }
0x55: {  	_ =	shalt  }
0x56: {  	_ =	shalt  }
0x57: {  	_ =	shalt  }
0x58: {  	_ =	shalt  }
0x59: {  	_ =	shalt  }
0x5a: {  	_ =	shalt  }
0x5b: {  	_ =	shalt  }
0x5c: {  	_ =	shalt  }
0x5d: {  	_ =	shalt  }
0x5e: {  	_ =	shalt  }
0x5f: {  	_ =	shalt  }
0x60: {  	_ =	shalt  }
0x61: {  	_ =	shalt  }
0x62: {  	_ =	shalt  }
0x63: {  	_ =	shalt  }
0x64: {  	_ =	shalt  }
0x65: {  	_ =	shalt  }
0x66: {  	_ =	shalt  }
0x67: {  	_ =	shalt  }
0x68: {  	_ =	shalt  }
0x69: {  	_ =	shalt  }
0x6a: {  	_ =	shalt  }
0x6b: {  	_ =	shalt  }
0x6c: {  	_ =	shalt  }
0x6d: {  	_ =	shalt  }
0x6e: {  	_ =	shalt  }
0x6f: {  	_ =	shalt  }
0x70: {  	_ =	shalt  }
0x71: {  	_ =	shalt  }
0x72: {  	_ =	shalt  }
0x73: {  	_ =	shalt  }
0x74: {  	_ =	shalt  }
0x75: {  	_ =	shalt  }
0x76: {  	_ =	shalt  }
0x77: {  	_ =	shalt  }
0x78: {  	_ =	shalt  }
0x79: {  	_ =	shalt  }
0x7a: {  	_ =	shalt  }
0x7b: {  	_ =	shalt  }
0x7c: {  	_ =	shalt  }
0x7d: {  	_ =	shalt  }
0x7e: {  	_ =	shalt  }
0x7f: {  	_ =	shalt  }
0x80: {  	_ =	shalt  }
0x81: {  	_ =	shalt  }
0x82: {  	_ =	shalt  }
0x83: {  	_ =	shalt  }
0x84: {  	_ =	shalt  }
0x85: {  	_ =	shalt  }
0x86: {  	_ =	shalt  }
0x87: {  	_ =	shalt  }
.Lfunc_end0:
.L_simem_size_0:
called_computation_lowered:
.L_overlay_start_0:
0x88: {  	s2 =	sld [smem:$0x3FD9]  }
0x89: {  	s3 =	sld [smem:$0x3FFE];
	_ =	sdelay $0x1  }
0x8a: {  	s1 =	srdreg.scid  }
0x8b: {  	s0 =	sand.u32 $0x1, s1  }
0x8c: {  	s17 =	sshll.u32 s0, $0xA;
	s2 =	sadd.s32 s3, s2  }
0x8d: {  	s2 =	sadd.s32 s2, s17  }
0x8e: {  	[smem:$0x3FC6] =	sst s2  }
0x8f: {  	_ = 	snop  }
0x90: {  	s2 =	sld [smem:$0x3FD0];
	(tm) =	ssettm $0x1  }
0x91: {  	s18 =	sld [smem:$0x3FFB];
	_ =	sdelay $0x3  }
0x92: {  	_ =	strace s18  }
0x93: {  	s3 =	sld [smem:$0x3FFC];
	_ =	sdelay $0x3  }
0x94: {  	_ =	strace s3  }
0x95: {  	s3 =	sld [smem:$0x3FFD];
	_ =	sdelay $0x3  }
0x96: {  	_ =	strace s3  }
0x97: {  	_ =	strace $0x8FFFFFFF  }
0x98: {  	s19 =	sld [smem:$0x3FDB];
	_ =	sdelay $0x1  }
0x99: {  	s4 =	simm.s32 $_scs_section_size  }
0x9a: {  	s5 =	simm.s32 $_size__tile_overlayer_lowered;
	s6 =	simm.s32 $_tile_overlayer_lowered  }
0x9b: {  	s22 =	simm.s32 $0x1BFF;
	s21 =	sshll.u32 s6, $0x1;
	s3 =	sadd.s32 s4, s19  }
0x9c: {  	s7 =	simm.s32 $0x0;
	s20 =	sshll.u32 s5, $0x1;
	s5 =	sadd.s32 s21, s3  }
0x9d: {  	[timem:s7], [sflag:s22] =	dma.local [hbm:s5], s20  }
0x9e: {  	_ =	swait.ge [sflag:s22], s20  }
0x9f: {  	s4 =	ssub.s32 $0x0, s20;
	[sflag:s22] =	ssyncset.done $0x0  }
0xa0: {  	[sflag:s22] =	ssyncadd.s32 s4;
	_ =	sdelay $0x1  }
0xa1: {  	s23 =	simm.s32 $0x1B8B  }
0xa2: {  	_ =	swait.ge [sflag:s23], $0x1  }
0xa3: {  	[sflag:s23] =	ssyncset.done $0x0  }
0xa4: {  	s25 =	simm.s32 $0x1B8E;
	s24 =	sld [smem:$0x3FFE];
	[sflag:s23] =	ssyncadd.s32 $0xFFFFFFFF  }
0xa5: {  	s26 =	simm.s32 $execute0_lowered;
	[smem:$0x3FD2] =	sst s25  }
0xa6: {  	s5 =	sshll.u32 s26, $0x1;
	_ =	strace $0x80000046;
	[dreg:$0x1] =	wrdreg $0xFFFFFFFF  }
0xa7: {  	s28 =	simm.s32 $_size_execute0_lowered;
	s3 =	sadd.s32 s3, s5;
	[dreg:$0x0] =	wrdreg $0x0  }
0xa8: {  	s5 =	sshll.u32 s28, $0x1;
	[dreg:$0x2] =	wrdreg s3  }
0xa9: {  	[dreg:$0x3] =	wrdreg s5  }
0xaa: {  	[dreg:$0x4] =	wrdreg $0xC0  }
0xab: {  	_ =	task [dreg:s7], $0x5FFFF  }
0xac: {  	[dreg:$0x1] =	wrdreg $0xFFFFFFFF  }
0xad: {  	[dreg:$0x0] =	wrdreg $0x60  }
0xae: {  	[dreg:$0x2] =	wrdreg s2  }
0xaf: {  	[dreg:$0x3] =	wrdreg s24  }
0xb0: {  	[dreg:$0x4] =	wrdreg $0xC8000  }
0xb1: {  	[dreg:$0x5] =	wrdreg $0x9  }
0xb2: {  	_ =	task.clear_ibuf [dreg:s7], $0x6FFFF;
	_ =	strace $0x90000046  }
0xb3: {  	s29 =	simm.s32 $0x9;
	_ =	strace $0x80000048  }
0xb4: {  	_ =	swait.ge [sflag:s29], $0x1  }
0xb5: {  	[sflag:s29] =	ssyncadd.s32 $0xFFFFFFFF  }
0xb6: {  	_ =	strace $0x90000048  }
0xb7: {  	_ =	sfence  }
0xb8: {  	s30 =	sld [smem:$0x0];
	_ =	sdelay $0x2  }
0xb9: {  	s31 =	sshll.u32 s1, $0xD;
	s1 =	sshrl.u32 s1, $0x2  }
0xba: {  	s3 =	sand.u32 $0x4000, s31;
	s1 =	sadd.s32 s1, s30  }
0xbb: {  	s0 =	sor.u32 s3, s0;
	s1 =	sshll.u32 s1, $0x11  }
0xbc: {  	s0 =	sor.u32 s1, s0  }
0xbd: {  	s0 =	sadd.s32 $0x8F2B, s0  }
0xbe: {  	[sflag:s0] =	ssyncadd.remote.s32 $0x1  }
0xbf: {  	_ =	sfence.sel $0xFFFF  }
0xc0: {  	[dreg:$0x0] =	wrdreg $0xFFFFFFFF;
	(pc) =	sbr.abs _section_cstart, $3  }
0xc1: {  	[dreg:$0x1] =	wrdreg $0xFFFFFFFF  }
0xc2: {  	_ =	task.clear_ibuf [dreg:s7], $0x2FFFF;
	_ =	strace $0x9FFFFFFF  }
0xc3: {  	(tm) =	ssettm $0x7FFFFFFF  }
tec
execute0_lowered:
.L_overlay_start_1:
0x0: {  	(tag) =	ssettag $0x1  }
0x1: {  	s3 =	rddreg [dreg:$0x0]  }
0x2: {  	s4 =	rddreg [dreg:$0x1];
	s0 =	srdreg.scid  }
0x3: {  	s6 =	stileid.u32;
	s1 =	rddreg [dreg:$0x2]  }
0x4: {  	s2 =	simm.s32 $0x0;
	s11 =	simm.s32 $0x1;
	p1 =	por $0x0, $0x0  }
0x5: {  	s5 =	sand.u32 $0x1, s0;
	s7 =	sshll.u32 s6, $0x1;
	s0 =	rddreg [dreg:$0x3]  }
0x6: {  	[smem:$0x7FF] =	sst s2;
	s24 =	sadd.s32 $0x200, s4;
	s4 =	sadd.s32 $0x1EC00, s4  }
0x7: {  	p0 =	sne.s32 s6, $0x0;
	s7 =	sor.u32 s5, s7;
	s5 =	ssub.s32 $0x2, s5  }
0x8: {  	s6 =	simm.s32 $0x3200;
	s7 =	smul.u32 $0x19000, s7;
	s8 =	sshrl.u32 s5, $0x1  }
0x9: {  	_ =	strace $0x80000047;
	s28 =	sshrl.u32 @!p0 s1, $0x3;
	s8 =	ssub.s32 s5, s8  }
0xa: {  	s7 =	sshrl.u32 s7, $0x3;
	s31 =	smax.u32 s8, $0x1;
	s8 =	simm.s32 $0x2  }
0xb: {  	s9 =	sadd.s32 $0x640, s7;
	s25 =	sadd.s32 s3, s7;
	s22 =	sadd.s32 s4, s7  }
0xc: {  	s13 =	sadd.s32 $0xC80, s7;
	s10 =	sadd.s32 $0x12C0, s7;
	s14 =	sadd.s32 $0x1900, s7  }
0xd: {  	s26 =	sadd.s32 $0x1F40, s7;
	s29 =	sadd.s32 $0x2580, s7;
	s7 =	sadd.s32 $0x2BC0, s7  }
0xe: {  	s30 =	sadd.s32 $0xFFFFFFFF, s31;
	s23 =	sadd.s32 s3, s9;
	s21 =	sadd.s32 s3, s13  }
0xf: {  	s20 =	sadd.s32 s4, s9;
	s19 =	sadd.s32 s3, s10;
	p2 =	sne.s32 s30, $0x0  }
.Ltmp0:
0x10: {  	s18 =	sadd.s32 s4, s13;
	s17 =	sadd.s32 s3, s14;
	(pc) =	sbr.rel @!p2 .LBB2_5-.Ltmp0, $4  }
0x11: {  	s16 =	sadd.s32 s4, s10;
	s15 =	sadd.s32 s3, s26;
	s14 =	sadd.s32 s4, s14  }
0x12: {  	s13 =	sadd.s32 s3, s29;
	s12 =	sadd.s32 s4, s26;
	s9 =	sadd.s32 s3, s7  }
0x13: {  	s5 =	sadd.s32 s4, s29;
	s3 =	sadd.s32 s4, s7;
	s4 =	simm.s32 $0x3  }
0x14: {  	s10 =	simm.s32 $0x6400;
	s7 =	simm.s32 $0x9600;
	s26 =	simm.s32 @!p0 $0x3  }
0x15: {  	s29 =	simm.s32 @!p0 $0x1C03  }
0x16: {  	[spmem:s28], [sflag:s29] =	dma.local @!p0 [hbm:s24], $0x1E850  }
0x17: {  	_ =	swait.ge @!p0 [sflag:s26], $0x1E850  }
0x18: {  	[sflag:s26] =	ssyncset.done @!p0 $0x0  }
0x19: {  	[sflag:s26] =	ssyncadd.s32 @!p0 $0xFFFE17B0  }
0x1a: {  	[bflag:$0x0] =	sbarrier.arrive $0xFFFF  }
0x1b: {  	[tilespmem:s2], [sflag:$0x3] =	stream.linear.gather [hbm4b:s25+s2], $0x3200, $0x38;
	[tilespmem:$0x1BC28] =	vst v63  }
0x1c: {  	_ =	swait.ge [sflag:s4], $0x3200  }
0x1d: {  	[sflag:s4] =	ssyncset.done $0x0  }
0x1e: {  	[sflag:s4] =	ssyncadd.s32 $0xFFFFCE00  }
0x1f: {  	[tilespmem:s10], [sflag:$0x1] =	stream.indirect.gather [spmem:s1], $0x1, s2, s6, $0xb8;
	[tilespmem:$0x1BC28] =	vst v63  }
0x20: {  	_ = 	snop  }
0x21: {  	[tilespmem:s6], [sflag:$0x3] =	stream.linear.gather [hbm4b:s23+s2], $0x3200, $0x38;
	[tilespmem:$0x1BC28] =	vst v63  }
0x22: {  	_ =	swait.ge [sflag:s4], $0x3200  }
0x23: {  	[sflag:s4] =	ssyncset.done $0x0  }
0x24: {  	[sflag:s4] =	ssyncadd.s32 $0xFFFFCE00  }
0x25: {  	_ =	swait.ge [sflag:s11], $0x3200  }
0x26: {  	[sflag:s11] =	ssyncset.done $0x0  }
0x27: {  	[sflag:s11] =	ssyncadd.s32 $0xFFFFCE00  }
0x28: {  	[hbm4b:s22+s2] =	stream.linear.scatter [tilespmem:s10], [sflag:$0x3], $0x3200, $0x38;
	[tilespmem:$0x1BC28] =	vst v63  }
0x29: {  	_ =	swait.ge [sflag:s4], $0x3200  }
0x2a: {  	[sflag:s4] =	ssyncset.done $0x0  }
0x2b: {  	[sflag:s4] =	ssyncadd.s32 $0xFFFFCE00  }
0x2c: {  	[tilespmem:s7], [sflag:$0x2] =	stream.indirect.gather [spmem:s1], $0x1, s6, s6, $0xb8;
	[tilespmem:$0x1BC28] =	vst v63  }
0x2d: {  	_ = 	snop  }
0x2e: {  	[tilespmem:s2], [sflag:$0x3] =	stream.linear.gather [hbm4b:s21+s2], $0x3200, $0x38;
	[tilespmem:$0x1BC28] =	vst v63  }
0x2f: {  	_ =	swait.ge [sflag:s4], $0x3200  }
0x30: {  	[sflag:s4] =	ssyncset.done $0x0  }
0x31: {  	[sflag:s4] =	ssyncadd.s32 $0xFFFFCE00  }
0x32: {  	_ =	swait.ge [sflag:s8], $0x3200  }
0x33: {  	[sflag:s8] =	ssyncset.done $0x0  }
0x34: {  	[sflag:s8] =	ssyncadd.s32 $0xFFFFCE00  }
0x35: {  	[hbm4b:s20+s2] =	stream.linear.scatter [tilespmem:s7], [sflag:$0x3], $0x3200, $0x38;
	[tilespmem:$0x1BC28] =	vst v63  }
0x36: {  	_ =	swait.ge [sflag:s4], $0x3200  }
0x37: {  	[sflag:s4] =	ssyncset.done $0x0  }
0x38: {  	[sflag:s4] =	ssyncadd.s32 $0xFFFFCE00  }
0x39: {  	[tilespmem:s10], [sflag:$0x1] =	stream.indirect.gather [spmem:s1], $0x1, s2, s6, $0xb8;
	[tilespmem:$0x1BC28] =	vst v63  }
0x3a: {  	_ = 	snop  }
0x3b: {  	[tilespmem:s6], [sflag:$0x3] =	stream.linear.gather [hbm4b:s19+s2], $0x3200, $0x38;
	[tilespmem:$0x1BC28] =	vst v63  }
0x3c: {  	_ =	swait.ge [sflag:s4], $0x3200  }
0x3d: {  	[sflag:s4] =	ssyncset.done $0x0  }
0x3e: {  	[sflag:s4] =	ssyncadd.s32 $0xFFFFCE00  }
0x3f: {  	_ =	swait.ge [sflag:s11], $0x3200  }
0x40: {  	[sflag:s11] =	ssyncset.done $0x0  }
0x41: {  	[sflag:s11] =	ssyncadd.s32 $0xFFFFCE00  }
0x42: {  	[hbm4b:s18+s2] =	stream.linear.scatter [tilespmem:s10], [sflag:$0x3], $0x3200, $0x38;
	[tilespmem:$0x1BC28] =	vst v63  }
0x43: {  	_ =	swait.ge [sflag:s4], $0x3200  }
0x44: {  	[sflag:s4] =	ssyncset.done $0x0  }
0x45: {  	[sflag:s4] =	ssyncadd.s32 $0xFFFFCE00  }
0x46: {  	[tilespmem:s7], [sflag:$0x2] =	stream.indirect.gather [spmem:s1], $0x1, s6, s6, $0xb8;
	[tilespmem:$0x1BC28] =	vst v63  }
0x47: {  	_ = 	snop  }
0x48: {  	[tilespmem:s2], [sflag:$0x3] =	stream.linear.gather [hbm4b:s17+s2], $0x3200, $0x38;
	[tilespmem:$0x1BC28] =	vst v63  }
0x49: {  	_ =	swait.ge [sflag:s4], $0x3200  }
0x4a: {  	[sflag:s4] =	ssyncset.done $0x0  }
0x4b: {  	[sflag:s4] =	ssyncadd.s32 $0xFFFFCE00  }
0x4c: {  	_ =	swait.ge [sflag:s8], $0x3200  }
0x4d: {  	[sflag:s8] =	ssyncset.done $0x0  }
0x4e: {  	[sflag:s8] =	ssyncadd.s32 $0xFFFFCE00  }
0x4f: {  	[hbm4b:s16+s2] =	stream.linear.scatter [tilespmem:s7], [sflag:$0x3], $0x3200, $0x38;
	[tilespmem:$0x1BC28] =	vst v63  }
0x50: {  	_ =	swait.ge [sflag:s4], $0x3200  }
0x51: {  	[sflag:s4] =	ssyncset.done $0x0  }
0x52: {  	[sflag:s4] =	ssyncadd.s32 $0xFFFFCE00  }
0x53: {  	[tilespmem:s10], [sflag:$0x1] =	stream.indirect.gather [spmem:s1], $0x1, s2, s6, $0xb8;
	[tilespmem:$0x1BC28] =	vst v63  }
0x54: {  	_ = 	snop  }
0x55: {  	[tilespmem:s6], [sflag:$0x3] =	stream.linear.gather [hbm4b:s15+s2], $0x3200, $0x38;
	[tilespmem:$0x1BC28] =	vst v63  }
0x56: {  	_ =	swait.ge [sflag:s4], $0x3200  }
0x57: {  	[sflag:s4] =	ssyncset.done $0x0  }
0x58: {  	[sflag:s4] =	ssyncadd.s32 $0xFFFFCE00  }
0x59: {  	_ =	swait.ge [sflag:s11], $0x3200  }
0x5a: {  	[sflag:s11] =	ssyncset.done $0x0  }
0x5b: {  	[sflag:s11] =	ssyncadd.s32 $0xFFFFCE00  }
0x5c: {  	[hbm4b:s14+s2] =	stream.linear.scatter [tilespmem:s10], [sflag:$0x3], $0x3200, $0x38;
	[tilespmem:$0x1BC28] =	vst v63  }
0x5d: {  	_ =	swait.ge [sflag:s4], $0x3200  }
0x5e: {  	[sflag:s4] =	ssyncset.done $0x0  }
0x5f: {  	[sflag:s4] =	ssyncadd.s32 $0xFFFFCE00  }
0x60: {  	[tilespmem:s7], [sflag:$0x2] =	stream.indirect.gather [spmem:s1], $0x1, s6, s6, $0xb8;
	[tilespmem:$0x1BC28] =	vst v63  }
0x61: {  	_ = 	snop  }
0x62: {  	[tilespmem:s2], [sflag:$0x3] =	stream.linear.gather [hbm4b:s13+s2], $0x3200, $0x38;
	[tilespmem:$0x1BC28] =	vst v63  }
0x63: {  	_ =	swait.ge [sflag:s4], $0x3200  }
0x64: {  	[sflag:s4] =	ssyncset.done $0x0  }
0x65: {  	[sflag:s4] =	ssyncadd.s32 $0xFFFFCE00  }
0x66: {  	_ =	swait.ge [sflag:s8], $0x3200  }
0x67: {  	[sflag:s8] =	ssyncset.done $0x0  }
0x68: {  	[sflag:s8] =	ssyncadd.s32 $0xFFFFCE00  }
0x69: {  	[hbm4b:s12+s2] =	stream.linear.scatter [tilespmem:s7], [sflag:$0x3], $0x3200, $0x38;
	[tilespmem:$0x1BC28] =	vst v63  }
0x6a: {  	_ =	swait.ge [sflag:s4], $0x3200  }
0x6b: {  	[sflag:s4] =	ssyncset.done $0x0  }
0x6c: {  	[sflag:s4] =	ssyncadd.s32 $0xFFFFCE00  }
0x6d: {  	[tilespmem:s10], [sflag:$0x1] =	stream.indirect.gather [spmem:s1], $0x1, s2, s6, $0xb8;
	[tilespmem:$0x1BC28] =	vst v63  }
0x6e: {  	_ = 	snop  }
0x6f: {  	[tilespmem:s6], [sflag:$0x3] =	stream.linear.gather [hbm4b:s9+s2], $0x3200, $0x38;
	[tilespmem:$0x1BC28] =	vst v63  }
0x70: {  	_ =	swait.ge [sflag:s4], $0x3200  }
0x71: {  	[sflag:s4] =	ssyncset.done $0x0  }
0x72: {  	[sflag:s4] =	ssyncadd.s32 $0xFFFFCE00  }
0x73: {  	_ =	swait.ge [sflag:s11], $0x3200  }
0x74: {  	[sflag:s11] =	ssyncset.done $0x0  }
0x75: {  	[sflag:s11] =	ssyncadd.s32 $0xFFFFCE00  }
0x76: {  	[hbm4b:s5+s2] =	stream.linear.scatter [tilespmem:s10], [sflag:$0x3], $0x3200, $0x38;
	[tilespmem:$0x1BC28] =	vst v63  }
0x77: {  	_ =	swait.ge [sflag:s4], $0x3200  }
0x78: {  	[sflag:s4] =	ssyncset.done $0x0  }
0x79: {  	s30 =	sadd.s32 $0xFFFFFFFF, s30;
	[sflag:s4] =	ssyncadd.s32 $0xFFFFCE00  }
0x7a: {  	[tilespmem:s7], [sflag:$0x2] =	stream.indirect.gather [spmem:s1], $0x1, s6, s6, $0xb8;
	[tilespmem:$0x1BC28] =	vst v63  }
0x7b: {  	p2 =	sne.s32 s30, $0x0;
	_ =	swait.ge [sflag:s8], $0x3200  }
.Ltmp1:
0x7c: {  	[sflag:s8] =	ssyncset.done $0x0;
	(pc) =	sbr.rel @!p2 .LBB2_5-.Ltmp1, $4  }
0x7d: {  	[sflag:s8] =	ssyncadd.s32 $0xFFFFCE00  }
0x7e: {  	[hbm4b:s3+s2] =	stream.linear.scatter [tilespmem:s7], [sflag:$0x3], $0x3200, $0x38;
	[tilespmem:$0x1BC28] =	vst v63  }
0x7f: {  	_ =	swait.ge [sflag:s4], $0x3200  }
0x80: {  	p1 =	por $0x1, $0x1;
	[sflag:s4] =	ssyncset.done $0x0  }
0x81: {  	s31 =	smov.u32 s28  }
.LBB2_3:
0x82: {  	[sflag:s4] =	ssyncadd.s32 $0xFFFFCE00  }
0x83: {  	[spmem:s31], [sflag:s29] =	dma.local @!p0 [hbm:s24], $0x1E850  }
0x84: {  	s30 =	sadd.s32 $0xFFFFFFFF, s30;
	s31 =	smov.u32 s28;
	_ =	swait.ge @!p0 [sflag:s26], $0x1E850  }
0x85: {  	p2 =	sne.s32 s30, $0x0;
	[sflag:s26] =	ssyncset.done @!p0 $0x0  }
0x86: {  	[sflag:s26] =	ssyncadd.s32 @!p0 $0xFFFE17B0  }
0x87: {  	[bflag:$0x0] =	sbarrier.arrive $0xFFFF  }
0x88: {  	[tilespmem:s2], [sflag:$0x3] =	stream.linear.gather [hbm4b:s25+s2], $0x3200, $0x38;
	[tilespmem:$0x1BC28] =	vst v63  }
0x89: {  	_ =	swait.ge [sflag:s4], $0x3200  }
0x8a: {  	[sflag:s4] =	ssyncset.done $0x0  }
0x8b: {  	[sflag:s4] =	ssyncadd.s32 $0xFFFFCE00  }
0x8c: {  	[tilespmem:s10], [sflag:$0x1] =	stream.indirect.gather [spmem:s1], $0x1, s2, s6, $0xb8;
	[tilespmem:$0x1BC28] =	vst v63  }
0x8d: {  	_ = 	snop  }
0x8e: {  	[tilespmem:s6], [sflag:$0x3] =	stream.linear.gather [hbm4b:s23+s2], $0x3200, $0x38;
	[tilespmem:$0x1BC28] =	vst v63  }
0x8f: {  	_ =	swait.ge [sflag:s4], $0x3200  }
0x90: {  	[sflag:s4] =	ssyncset.done $0x0  }
0x91: {  	[sflag:s4] =	ssyncadd.s32 $0xFFFFCE00  }
0x92: {  	_ =	swait.ge [sflag:s11], $0x3200  }
0x93: {  	[sflag:s11] =	ssyncset.done $0x0  }
0x94: {  	[sflag:s11] =	ssyncadd.s32 $0xFFFFCE00  }
0x95: {  	[hbm4b:s22+s2] =	stream.linear.scatter [tilespmem:s10], [sflag:$0x3], $0x3200, $0x38;
	[tilespmem:$0x1BC28] =	vst v63  }
0x96: {  	_ =	swait.ge [sflag:s4], $0x3200  }
0x97: {  	[sflag:s4] =	ssyncset.done $0x0  }
0x98: {  	[sflag:s4] =	ssyncadd.s32 $0xFFFFCE00  }
0x99: {  	[tilespmem:s7], [sflag:$0x2] =	stream.indirect.gather [spmem:s1], $0x1, s6, s6, $0xb8;
	[tilespmem:$0x1BC28] =	vst v63  }
0x9a: {  	_ = 	snop  }
0x9b: {  	[tilespmem:s2], [sflag:$0x3] =	stream.linear.gather [hbm4b:s21+s2], $0x3200, $0x38;
	[tilespmem:$0x1BC28] =	vst v63  }
0x9c: {  	_ =	swait.ge [sflag:s4], $0x3200  }
0x9d: {  	[sflag:s4] =	ssyncset.done $0x0  }
0x9e: {  	[sflag:s4] =	ssyncadd.s32 $0xFFFFCE00  }
0x9f: {  	_ =	swait.ge [sflag:s8], $0x3200  }
0xa0: {  	[sflag:s8] =	ssyncset.done $0x0  }
0xa1: {  	[sflag:s8] =	ssyncadd.s32 $0xFFFFCE00  }
0xa2: {  	[hbm4b:s20+s2] =	stream.linear.scatter [tilespmem:s7], [sflag:$0x3], $0x3200, $0x38;
	[tilespmem:$0x1BC28] =	vst v63  }
0xa3: {  	_ =	swait.ge [sflag:s4], $0x3200  }
0xa4: {  	[sflag:s4] =	ssyncset.done $0x0  }
0xa5: {  	[sflag:s4] =	ssyncadd.s32 $0xFFFFCE00  }
0xa6: {  	[tilespmem:s10], [sflag:$0x1] =	stream.indirect.gather [spmem:s1], $0x1, s2, s6, $0xb8;
	[tilespmem:$0x1BC28] =	vst v63  }
0xa7: {  	_ = 	snop  }
0xa8: {  	[tilespmem:s6], [sflag:$0x3] =	stream.linear.gather [hbm4b:s19+s2], $0x3200, $0x38;
	[tilespmem:$0x1BC28] =	vst v63  }
0xa9: {  	_ =	swait.ge [sflag:s4], $0x3200  }
0xaa: {  	[sflag:s4] =	ssyncset.done $0x0  }
0xab: {  	[sflag:s4] =	ssyncadd.s32 $0xFFFFCE00  }
0xac: {  	_ =	swait.ge [sflag:s11], $0x3200  }
0xad: {  	[sflag:s11] =	ssyncset.done $0x0  }
0xae: {  	[sflag:s11] =	ssyncadd.s32 $0xFFFFCE00  }
0xaf: {  	[hbm4b:s18+s2] =	stream.linear.scatter [tilespmem:s10], [sflag:$0x3], $0x3200, $0x38;
	[tilespmem:$0x1BC28] =	vst v63  }
0xb0: {  	_ =	swait.ge [sflag:s4], $0x3200  }
0xb1: {  	[sflag:s4] =	ssyncset.done $0x0  }
0xb2: {  	[sflag:s4] =	ssyncadd.s32 $0xFFFFCE00  }
0xb3: {  	[tilespmem:s7], [sflag:$0x2] =	stream.indirect.gather [spmem:s1], $0x1, s6, s6, $0xb8;
	[tilespmem:$0x1BC28] =	vst v63  }
0xb4: {  	_ = 	snop  }
0xb5: {  	[tilespmem:s2], [sflag:$0x3] =	stream.linear.gather [hbm4b:s17+s2], $0x3200, $0x38;
	[tilespmem:$0x1BC28] =	vst v63  }
0xb6: {  	_ =	swait.ge [sflag:s4], $0x3200  }
0xb7: {  	[sflag:s4] =	ssyncset.done $0x0  }
0xb8: {  	[sflag:s4] =	ssyncadd.s32 $0xFFFFCE00  }
0xb9: {  	_ =	swait.ge [sflag:s8], $0x3200  }
0xba: {  	[sflag:s8] =	ssyncset.done $0x0  }
0xbb: {  	[sflag:s8] =	ssyncadd.s32 $0xFFFFCE00  }
0xbc: {  	[hbm4b:s16+s2] =	stream.linear.scatter [tilespmem:s7], [sflag:$0x3], $0x3200, $0x38;
	[tilespmem:$0x1BC28] =	vst v63  }
0xbd: {  	_ =	swait.ge [sflag:s4], $0x3200  }
0xbe: {  	[sflag:s4] =	ssyncset.done $0x0  }
0xbf: {  	[sflag:s4] =	ssyncadd.s32 $0xFFFFCE00  }
0xc0: {  	[tilespmem:s10], [sflag:$0x1] =	stream.indirect.gather [spmem:s1], $0x1, s2, s6, $0xb8;
	[tilespmem:$0x1BC28] =	vst v63  }
0xc1: {  	_ = 	snop  }
0xc2: {  	[tilespmem:s6], [sflag:$0x3] =	stream.linear.gather [hbm4b:s15+s2], $0x3200, $0x38;
	[tilespmem:$0x1BC28] =	vst v63  }
0xc3: {  	_ =	swait.ge [sflag:s4], $0x3200  }
0xc4: {  	[sflag:s4] =	ssyncset.done $0x0  }
0xc5: {  	[sflag:s4] =	ssyncadd.s32 $0xFFFFCE00  }
0xc6: {  	_ =	swait.ge [sflag:s11], $0x3200  }
0xc7: {  	[sflag:s11] =	ssyncset.done $0x0  }
0xc8: {  	[sflag:s11] =	ssyncadd.s32 $0xFFFFCE00  }
0xc9: {  	[hbm4b:s14+s2] =	stream.linear.scatter [tilespmem:s10], [sflag:$0x3], $0x3200, $0x38;
	[tilespmem:$0x1BC28] =	vst v63  }
0xca: {  	_ =	swait.ge [sflag:s4], $0x3200  }
0xcb: {  	[sflag:s4] =	ssyncset.done $0x0  }
0xcc: {  	[sflag:s4] =	ssyncadd.s32 $0xFFFFCE00  }
0xcd: {  	[tilespmem:s7], [sflag:$0x2] =	stream.indirect.gather [spmem:s1], $0x1, s6, s6, $0xb8;
	[tilespmem:$0x1BC28] =	vst v63  }
0xce: {  	_ = 	snop  }
0xcf: {  	[tilespmem:s2], [sflag:$0x3] =	stream.linear.gather [hbm4b:s13+s2], $0x3200, $0x38;
	[tilespmem:$0x1BC28] =	vst v63  }
0xd0: {  	_ =	swait.ge [sflag:s4], $0x3200  }
0xd1: {  	[sflag:s4] =	ssyncset.done $0x0  }
0xd2: {  	[sflag:s4] =	ssyncadd.s32 $0xFFFFCE00  }
0xd3: {  	_ =	swait.ge [sflag:s8], $0x3200  }
0xd4: {  	[sflag:s8] =	ssyncset.done $0x0  }
0xd5: {  	[sflag:s8] =	ssyncadd.s32 $0xFFFFCE00  }
0xd6: {  	[hbm4b:s12+s2] =	stream.linear.scatter [tilespmem:s7], [sflag:$0x3], $0x3200, $0x38;
	[tilespmem:$0x1BC28] =	vst v63  }
0xd7: {  	_ =	swait.ge [sflag:s4], $0x3200  }
0xd8: {  	[sflag:s4] =	ssyncset.done $0x0  }
0xd9: {  	[sflag:s4] =	ssyncadd.s32 $0xFFFFCE00  }
0xda: {  	[tilespmem:s10], [sflag:$0x1] =	stream.indirect.gather [spmem:s1], $0x1, s2, s6, $0xb8;
	[tilespmem:$0x1BC28] =	vst v63  }
0xdb: {  	_ = 	snop  }
0xdc: {  	[tilespmem:s6], [sflag:$0x3] =	stream.linear.gather [hbm4b:s9+s2], $0x3200, $0x38;
	[tilespmem:$0x1BC28] =	vst v63  }
0xdd: {  	_ =	swait.ge [sflag:s4], $0x3200  }
0xde: {  	[sflag:s4] =	ssyncset.done $0x0  }
0xdf: {  	[sflag:s4] =	ssyncadd.s32 $0xFFFFCE00  }
0xe0: {  	_ =	swait.ge [sflag:s11], $0x3200  }
0xe1: {  	[sflag:s11] =	ssyncset.done $0x0  }
0xe2: {  	[sflag:s11] =	ssyncadd.s32 $0xFFFFCE00  }
0xe3: {  	[hbm4b:s5+s2] =	stream.linear.scatter [tilespmem:s10], [sflag:$0x3], $0x3200, $0x38;
	[tilespmem:$0x1BC28] =	vst v63  }
0xe4: {  	_ =	swait.ge [sflag:s4], $0x3200  }
0xe5: {  	[sflag:s4] =	ssyncset.done $0x0  }
0xe6: {  	[sflag:s4] =	ssyncadd.s32 $0xFFFFCE00  }
0xe7: {  	[tilespmem:s7], [sflag:$0x2] =	stream.indirect.gather [spmem:s1], $0x1, s6, s6, $0xb8;
	[tilespmem:$0x1BC28] =	vst v63  }
0xe8: {  	_ =	swait.ge [sflag:s8], $0x3200  }
.Ltmp2:
0xe9: {  	[sflag:s8] =	ssyncset.done $0x0;
	(pc) =	sbr.rel @p2 .LBB2_3-.Ltmp2, $4  }
0xea: {  	[sflag:s8] =	ssyncadd.s32 $0xFFFFCE00  }
0xeb: {  	[hbm4b:s3+s2] =	stream.linear.scatter [tilespmem:s7], [sflag:$0x3], $0x3200, $0x38;
	[tilespmem:$0x1BC28] =	vst v63  }
0xec: {  	_ =	swait.ge [sflag:s4], $0x3200  }
0xed: {  	[sflag:s4] =	ssyncset.done $0x0  }
0xee: {  	s28 =	smov.u32 s31  }
.LBB2_5:
0xef: {  	[sflag:s4] =	ssyncadd.s32 @p1 $0xFFFFCE00;
	s29 =	simm.s32 @!p0 $0x1C03  }
0xf0: {  	[spmem:s28], [sflag:s29] =	dma.local @!p0 [hbm:s24], $0x1E850  }
0xf1: {  	_ =	swait.ge @!p0 [sflag:s26], $0x1E850  }
0xf2: {  	[sflag:s26] =	ssyncset.done @!p0 $0x0  }
0xf3: {  	[sflag:s26] =	ssyncadd.s32 @!p0 $0xFFFE17B0  }
0xf4: {  	[bflag:$0x0] =	sbarrier.arrive $0xFFFF  }
0xf5: {  	[tilespmem:s2], [sflag:$0x3] =	stream.linear.gather [hbm4b:s25+s2], $0x3200, $0x38;
	[tilespmem:$0x1BC28] =	vst v63  }
0xf6: {  	_ =	swait.ge [sflag:s4], $0x3200  }
0xf7: {  	[sflag:s4] =	ssyncset.done $0x0  }
0xf8: {  	[sflag:s4] =	ssyncadd.s32 $0xFFFFCE00  }
0xf9: {  	[tilespmem:s10], [sflag:$0x1] =	stream.indirect.gather [spmem:s1], $0x1, s2, s6, $0xb8;
	[tilespmem:$0x1BC28] =	vst v63  }
0xfa: {  	_ = 	snop  }
0xfb: {  	[tilespmem:s6], [sflag:$0x3] =	stream.linear.gather [hbm4b:s23+s2], $0x3200, $0x38;
	[tilespmem:$0x1BC28] =	vst v63  }
0xfc: {  	_ =	swait.ge [sflag:s4], $0x3200  }
0xfd: {  	[sflag:s4] =	ssyncset.done $0x0  }
0xfe: {  	[sflag:s4] =	ssyncadd.s32 $0xFFFFCE00  }
0xff: {  	_ =	swait.ge [sflag:s11], $0x3200  }
0x100: {  	[sflag:s11] =	ssyncset.done $0x0  }
0x101: {  	[sflag:s11] =	ssyncadd.s32 $0xFFFFCE00  }
0x102: {  	[hbm4b:s22+s2] =	stream.linear.scatter [tilespmem:s10], [sflag:$0x3], $0x3200, $0x38;
	[tilespmem:$0x1BC28] =	vst v63  }
0x103: {  	_ =	swait.ge [sflag:s4], $0x3200  }
0x104: {  	[sflag:s4] =	ssyncset.done $0x0  }
0x105: {  	[sflag:s4] =	ssyncadd.s32 $0xFFFFCE00  }
0x106: {  	[tilespmem:s7], [sflag:$0x2] =	stream.indirect.gather [spmem:s1], $0x1, s6, s6, $0xb8;
	[tilespmem:$0x1BC28] =	vst v63  }
0x107: {  	_ = 	snop  }
0x108: {  	[tilespmem:s2], [sflag:$0x3] =	stream.linear.gather [hbm4b:s21+s2], $0x3200, $0x38;
	[tilespmem:$0x1BC28] =	vst v63  }
0x109: {  	_ =	swait.ge [sflag:s4], $0x3200  }
0x10a: {  	[sflag:s4] =	ssyncset.done $0x0  }
0x10b: {  	[sflag:s4] =	ssyncadd.s32 $0xFFFFCE00  }
0x10c: {  	_ =	swait.ge [sflag:s8], $0x3200  }
0x10d: {  	[sflag:s8] =	ssyncset.done $0x0  }
0x10e: {  	[sflag:s8] =	ssyncadd.s32 $0xFFFFCE00  }
0x10f: {  	[hbm4b:s20+s2] =	stream.linear.scatter [tilespmem:s7], [sflag:$0x3], $0x3200, $0x38;
	[tilespmem:$0x1BC28] =	vst v63  }
0x110: {  	_ =	swait.ge [sflag:s4], $0x3200  }
0x111: {  	[sflag:s4] =	ssyncset.done $0x0  }
0x112: {  	[sflag:s4] =	ssyncadd.s32 $0xFFFFCE00  }
0x113: {  	[tilespmem:s10], [sflag:$0x1] =	stream.indirect.gather [spmem:s1], $0x1, s2, s6, $0xb8;
	[tilespmem:$0x1BC28] =	vst v63  }
0x114: {  	_ = 	snop  }
0x115: {  	[tilespmem:s6], [sflag:$0x3] =	stream.linear.gather [hbm4b:s19+s2], $0x3200, $0x38;
	[tilespmem:$0x1BC28] =	vst v63  }
0x116: {  	_ =	swait.ge [sflag:s4], $0x3200  }
0x117: {  	[sflag:s4] =	ssyncset.done $0x0  }
0x118: {  	[sflag:s4] =	ssyncadd.s32 $0xFFFFCE00  }
0x119: {  	_ =	swait.ge [sflag:s11], $0x3200  }
0x11a: {  	[sflag:s11] =	ssyncset.done $0x0  }
0x11b: {  	[sflag:s11] =	ssyncadd.s32 $0xFFFFCE00  }
0x11c: {  	[hbm4b:s18+s2] =	stream.linear.scatter [tilespmem:s10], [sflag:$0x3], $0x3200, $0x38;
	[tilespmem:$0x1BC28] =	vst v63  }
0x11d: {  	_ =	swait.ge [sflag:s4], $0x3200  }
0x11e: {  	[sflag:s4] =	ssyncset.done $0x0  }
0x11f: {  	[sflag:s4] =	ssyncadd.s32 $0xFFFFCE00  }
0x120: {  	[tilespmem:s7], [sflag:$0x2] =	stream.indirect.gather [spmem:s1], $0x1, s6, s6, $0xb8;
	[tilespmem:$0x1BC28] =	vst v63  }
0x121: {  	_ = 	snop  }
0x122: {  	[tilespmem:s2], [sflag:$0x3] =	stream.linear.gather [hbm4b:s17+s2], $0x3200, $0x38;
	[tilespmem:$0x1BC28] =	vst v63  }
0x123: {  	_ =	swait.ge [sflag:s4], $0x3200  }
0x124: {  	[sflag:s4] =	ssyncset.done $0x0  }
0x125: {  	[sflag:s4] =	ssyncadd.s32 $0xFFFFCE00  }
0x126: {  	_ =	swait.ge [sflag:s8], $0x3200  }
0x127: {  	[sflag:s8] =	ssyncset.done $0x0  }
0x128: {  	[sflag:s8] =	ssyncadd.s32 $0xFFFFCE00  }
0x129: {  	[hbm4b:s16+s2] =	stream.linear.scatter [tilespmem:s7], [sflag:$0x3], $0x3200, $0x38;
	[tilespmem:$0x1BC28] =	vst v63  }
0x12a: {  	_ =	swait.ge [sflag:s4], $0x3200  }
0x12b: {  	[sflag:s4] =	ssyncset.done $0x0  }
0x12c: {  	[sflag:s4] =	ssyncadd.s32 $0xFFFFCE00  }
0x12d: {  	[tilespmem:s10], [sflag:$0x1] =	stream.indirect.gather [spmem:s1], $0x1, s2, s6, $0xb8;
	[tilespmem:$0x1BC28] =	vst v63  }
0x12e: {  	_ = 	snop  }
0x12f: {  	[tilespmem:s6], [sflag:$0x3] =	stream.linear.gather [hbm4b:s15+s2], $0x3200, $0x38;
	[tilespmem:$0x1BC28] =	vst v63  }
0x130: {  	_ =	swait.ge [sflag:s4], $0x3200  }
0x131: {  	[sflag:s4] =	ssyncset.done $0x0  }
0x132: {  	[sflag:s4] =	ssyncadd.s32 $0xFFFFCE00  }
0x133: {  	_ =	swait.ge [sflag:s11], $0x3200  }
0x134: {  	[sflag:s11] =	ssyncset.done $0x0  }
0x135: {  	[sflag:s11] =	ssyncadd.s32 $0xFFFFCE00  }
0x136: {  	[hbm4b:s14+s2] =	stream.linear.scatter [tilespmem:s10], [sflag:$0x3], $0x3200, $0x38;
	[tilespmem:$0x1BC28] =	vst v63  }
0x137: {  	_ =	swait.ge [sflag:s4], $0x3200  }
0x138: {  	[sflag:s4] =	ssyncset.done $0x0  }
0x139: {  	[sflag:s4] =	ssyncadd.s32 $0xFFFFCE00  }
0x13a: {  	[tilespmem:s7], [sflag:$0x2] =	stream.indirect.gather [spmem:s1], $0x1, s6, s6, $0xb8;
	[tilespmem:$0x1BC28] =	vst v63  }
0x13b: {  	_ = 	snop  }
0x13c: {  	[tilespmem:s2], [sflag:$0x3] =	stream.linear.gather [hbm4b:s13+s2], $0x3200, $0x38;
	[tilespmem:$0x1BC28] =	vst v63  }
0x13d: {  	_ =	swait.ge [sflag:s4], $0x3200  }
0x13e: {  	[sflag:s4] =	ssyncset.done $0x0  }
0x13f: {  	[sflag:s4] =	ssyncadd.s32 $0xFFFFCE00  }
0x140: {  	_ =	swait.ge [sflag:s8], $0x3200  }
0x141: {  	[sflag:s8] =	ssyncset.done $0x0  }
0x142: {  	[sflag:s8] =	ssyncadd.s32 $0xFFFFCE00  }
0x143: {  	[hbm4b:s12+s2] =	stream.linear.scatter [tilespmem:s7], [sflag:$0x3], $0x3200, $0x38;
	[tilespmem:$0x1BC28] =	vst v63  }
0x144: {  	_ =	swait.ge [sflag:s4], $0x3200  }
0x145: {  	[sflag:s4] =	ssyncset.done $0x0  }
0x146: {  	[sflag:s4] =	ssyncadd.s32 $0xFFFFCE00  }
0x147: {  	[tilespmem:s10], [sflag:$0x1] =	stream.indirect.gather [spmem:s1], $0x1, s2, s6, $0xb8;
	[tilespmem:$0x1BC28] =	vst v63  }
0x148: {  	_ = 	snop  }
0x149: {  	[tilespmem:s6], [sflag:$0x3] =	stream.linear.gather [hbm4b:s9+s2], $0x3200, $0x38;
	[tilespmem:$0x1BC28] =	vst v63  }
0x14a: {  	_ =	swait.ge [sflag:s4], $0x3200  }
0x14b: {  	[sflag:s4] =	ssyncset.done $0x0  }
0x14c: {  	[sflag:s4] =	ssyncadd.s32 $0xFFFFCE00  }
0x14d: {  	_ =	swait.ge [sflag:s11], $0x3200  }
0x14e: {  	[sflag:s11] =	ssyncset.done $0x0  }
0x14f: {  	[sflag:s11] =	ssyncadd.s32 $0xFFFFCE00  }
0x150: {  	[hbm4b:s5+s2] =	stream.linear.scatter [tilespmem:s10], [sflag:$0x3], $0x3200, $0x38;
	[tilespmem:$0x1BC28] =	vst v63  }
0x151: {  	_ =	swait.ge [sflag:s4], $0x3200  }
0x152: {  	[sflag:s4] =	ssyncset.done $0x0  }
0x153: {  	[sflag:s4] =	ssyncadd.s32 $0xFFFFCE00  }
0x154: {  	[tilespmem:s7], [sflag:$0x2] =	stream.indirect.gather [spmem:s1], $0x1, s6, s6, $0xb8;
	[tilespmem:$0x1BC28] =	vst v63  }
0x155: {  	_ =	swait.ge [sflag:s8], $0x3200  }
0x156: {  	[sflag:s8] =	ssyncset.done $0x0  }
0x157: {  	[sflag:s8] =	ssyncadd.s32 $0xFFFFCE00  }
0x158: {  	[hbm4b:s3+s2] =	stream.linear.scatter [tilespmem:s7], [sflag:$0x3], $0x3200, $0x38;
	[tilespmem:$0x1BC28] =	vst v63  }
0x159: {  	_ =	swait.ge [sflag:s4], $0x3200  }
0x15a: {  	[sflag:s4] =	ssyncset.done $0x0  }
0x15b: {  	[sflag:s4] =	ssyncadd.s32 $0xFFFFCE00  }
0x15c: {  	_ =	sfence.sel $0x180000  }
0x15d: {  	[bflag:$0x0] =	sbarrier.arrive $0xFFFF  }
0x15e: {  	_ =	strace $0x90000047  }
0x15f: {  	s0 =	sadd.s32 @!p0 $0x100000, s0;
	[bflag:$0x2] =	sbarrier.arrive $0xFFFF  }
0x160: {  	[sflag:s0] =	ssyncadd.tile.s32 @!p0 $0x1;
	_ =	shalt  }
.Lfunc_end2:
_tile_overlayer_lowered:
.L_overlay_start_2:
0x161: {  	(tag) =	ssettag $0x2  }
0x162: {  	s0 =	rddreg [dreg:$0x0];
	s2 =	stileid.u32  }
0x163: {  	s1 =	rddreg [dreg:$0x1];
	p0 =	sne.s32 s2, $0x0  }
0x164: {  	s3 =	rddreg [dreg:$0x2];
	[bflag:$0x3] =	sbarrier.arrive $0xFFFF;
	s2 =	simm.s32 @!p0 $0x1C03  }
0x165: {  	[timem:s3], [sflag:s2] =	dma.local @!p0 [hbm:s0], s1  }
0x166: {  	s0 =	simm.s32 @!p0 $0x3  }
0x167: {  	_ =	swait.ge @!p0 [sflag:s0], s1  }
0x168: {  	s1 =	ssub.s32 @!p0 $0x0, s1;
	[sflag:s0] =	ssyncset.done @!p0 $0x0  }
0x169: {  	[sflag:s0] =	ssyncadd.s32 @!p0 s1  }
0x16a: {  	[bflag:$0x3] =	sbarrier.arrive $0xFFFF  }
0x16b: {  	_ =	shalt  }

</sc_bundles>
